<compile_context>
chip_gen: v7x
topology: tpu7x:2x2x1
jax: 0.10.2.dev20260603
libtpu: 0.0.44.dev20260713+nightly
codegen_flags: <defaults>
</compile_context>

<pallas_src>
import functools

import jax
import jax.numpy as jnp
from jax import lax
from jax.experimental import pallas as pl
from jax.experimental.pallas import tpu as pltpu
from jax.experimental.pallas import tpu_sc as plsc

_N = 10000
_E = 320000
_D = 128
_H = 128
_C = 64

_NC = 2
_NS = 16
_NW = _NC * _NS
_EPW = _E // _NW
_CHUNK = 125
_NCH = _EPW // _CHUNK
_HCH = _NCH // 2

_NP = 10240
_RPT = _NP // _NS
_OCH = 80
_NOCH = _RPT // _OCH

_BR = 1024
_GB = _NP // _BR


def _head_body(pa_ref, pb_ref, w1_ref, b1_ref, wd_ref, bd_ref, o_ref):
    agg = pa_ref[0] + pb_ref[0]
    h = jax.nn.relu(jnp.dot(agg, w1_ref[...],
                            preferred_element_type=jnp.float32) + b1_ref[...])
    o = jnp.dot(h, wd_ref[...],
                preferred_element_type=jnp.float32) + bd_ref[...]
    o_ref[...] = o.T


_sc_mesh = plsc.VectorSubcoreMesh(core_axis_name="c", subcore_axis_name="s")


@functools.partial(
    pl.kernel,
    mesh=_sc_mesh,
    out_type=jax.ShapeDtypeStruct((_NC, _NP, _D), jnp.float32),
    scratch_types=[
        pltpu.VMEM((_HCH, _CHUNK), jnp.int32),
        pltpu.VMEM((_HCH, _CHUNK), jnp.int32),
        pltpu.VMEM((2, _CHUNK, _D), jnp.float32),
        pltpu.VMEM_SHARED((_NP, _D), jnp.float32),
        pltpu.SemaphoreType.DMA,
        pltpu.SemaphoreType.DMA,
    ],
)
def _sc_agg(x_hbm, edges_hbm, out_hbm,
            src_v, dst_v, rows_v, acc_sh, semg, sems):
    cid = lax.axis_index("c")
    sid = lax.axis_index("s")
    wid = sid * _NC + cid

    pltpu.sync_copy(edges_hbm.at[0, wid, pl.ds(0, _HCH)], src_v)
    pltpu.sync_copy(edges_hbm.at[1, wid, pl.ds(0, _HCH)], dst_v)
    pltpu.async_copy(x_hbm.at[src_v.at[0]], rows_v.at[0], semg)

    def _zero_row(r, carry):
        for c in range(_D // 16):
            rows_v[1, r, pl.ds(c * 16, 16)] = jnp.zeros((16,), jnp.float32)
        return carry
    lax.fori_loop(0, _OCH, _zero_row, 0)
    for t in range(_NOCH):
        pltpu.async_copy(rows_v.at[1, pl.ds(0, _OCH)],
                         acc_sh.at[pl.ds(sid * _RPT + t * _OCH, _OCH)], sems)
    for t in range(_NOCH):
        pltpu.make_async_copy(rows_v.at[1, pl.ds(0, _OCH)],
                              acc_sh.at[pl.ds(sid * _RPT, _OCH)], sems).wait()
    plsc.subcore_barrier()

    for phase in range(2):
        if phase:
            pltpu.sync_copy(edges_hbm.at[0, wid, pl.ds(phase * _HCH, _HCH)],
                            src_v)
            pltpu.sync_copy(edges_hbm.at[1, wid, pl.ds(phase * _HCH, _HCH)],
                            dst_v)
            pltpu.async_copy(x_hbm.at[src_v.at[0]], rows_v.at[0], semg)
        pltpu.async_copy(x_hbm.at[src_v.at[1]], rows_v.at[1], semg)
        pltpu.make_async_copy(x_hbm.at[src_v.at[0]],
                              rows_v.at[0], semg).wait()
        pltpu.async_copy(rows_v.at[0], acc_sh.at[dst_v.at[0]],
                         sems, add=True)

        def _edge_chunk(j, carry):
            b = lax.rem(j, 2)
            pltpu.make_async_copy(x_hbm.at[src_v.at[j]],
                                  rows_v.at[b], semg).wait()
            pltpu.make_async_copy(rows_v.at[1 - b],
                                  acc_sh.at[dst_v.at[j - 1]], sems).wait()
            pltpu.async_copy(x_hbm.at[src_v.at[j + 1]],
                             rows_v.at[1 - b], semg)
            pltpu.async_copy(rows_v.at[b], acc_sh.at[dst_v.at[j]],
                             sems, add=True)
            return carry
        lax.fori_loop(1, _HCH - 1, _edge_chunk, 0)
        _lb = (_HCH - 1) % 2
        pltpu.make_async_copy(x_hbm.at[src_v.at[_HCH - 1]],
                              rows_v.at[_lb], semg).wait()
        pltpu.make_async_copy(rows_v.at[1 - _lb],
                              acc_sh.at[dst_v.at[_HCH - 2]],
                              sems).wait()
        pltpu.async_copy(rows_v.at[_lb], acc_sh.at[dst_v.at[_HCH - 1]],
                         sems, add=True)
        pltpu.make_async_copy(rows_v.at[_lb],
                              acc_sh.at[dst_v.at[_HCH - 1]],
                              sems).wait()
    plsc.subcore_barrier()

    for t in range(_NOCH):
        base = sid * _RPT + t * _OCH
        pltpu.async_copy(acc_sh.at[pl.ds(base, _OCH)],
                         out_hbm.at[cid, pl.ds(base, _OCH)], semg)
    for t in range(_NOCH):
        pltpu.make_async_copy(acc_sh.at[pl.ds(sid * _RPT, _OCH)],
                              out_hbm.at[cid, pl.ds(sid * _RPT, _OCH)],
                              semg).wait()


def kernel(x, adj, W1, b1, Wd, bd):
    edges = adj.reshape(2, _NW, _NCH, _CHUNK)

    partials = _sc_agg(x, edges)

    out = pl.pallas_call(
        _head_body,
        grid=(_GB,),
        in_specs=[pl.BlockSpec((1, _BR, _D), lambda i: (0, i, 0)),
                  pl.BlockSpec((1, _BR, _D), lambda i: (1, i, 0)),
                  pl.BlockSpec((_D, _H), lambda i: (0, 0)),
                  pl.BlockSpec((1, _H), lambda i: (0, 0)),
                  pl.BlockSpec((_H, _C), lambda i: (0, 0)),
                  pl.BlockSpec((1, _C), lambda i: (0, 0))],
        out_specs=pl.BlockSpec((_C, _BR), lambda i: (0, i)),
        out_shape=jax.ShapeDtypeStruct((_C, _NP), jnp.float32),
    )(partials, partials, W1, b1[None], Wd, bd[None])
    return out[:, :_N].T

# --- scband reference (transcript-rebuilt; emitter-appended) ---
"""Pipeline reference for scband-gcn-35871566856581 (READ-ONLY COPY).

The authoritative reference and input builder live on the scoring server;
editing this copy changes nothing except your own understanding.
"""

import jax, jax.numpy as jnp
import numpy as np

N = 10000
E = 320000
D = 128
H = 128
C = 64

def setup_inputs(seed: int = 0):
    key = jax.random.key(seed)
    k1, k2, k3, k4 = jax.random.split(key, 4)
    x = jax.random.normal(k1, (N, D), dtype=jnp.float32)
    adj = jax.random.randint(k2, (2, E), 0, N, dtype=jnp.int32)
    W1 = jax.random.normal(k3, (D, H), dtype=jnp.float32) * (1.0 / np.sqrt(D))
    b1 = jnp.zeros((H,), dtype=jnp.float32)
    Wd = jax.random.normal(k4, (H, C), dtype=jnp.float32) * (1.0 / np.sqrt(H))
    bd = jnp.zeros((C,), dtype=jnp.float32)
    return {"x": x, "adj": adj, "W1": W1, "b1": b1, "Wd": Wd, "bd": bd}

def reference(x, adj, W1, b1, Wd, bd):
    # GraphConvolution gc1: support = x @ W1; out = spmm(adj, support) + b1
    # adj represented as sparse COO edge list [2, E] with unit weights:
    # spmm(adj, support) == segment_sum of gathered rows (SparseCore gather + scatter-add)
    src = adj[0]
    dst = adj[1]
    support = x @ W1
    gathered = jnp.take(support, src, axis=0)
    agg = jax.ops.segment_sum(gathered, dst, num_segments=x.shape[0])
    h = jax.nn.relu(agg + b1)
    # dense head
    out = h @ Wd + bd
    return out

if __name__ == "__main__":
    import jax
    _d = setup_inputs()
    print(jax.jit(kernel)(*tuple(_d.values())))

</pallas_src>

<mosaic_0001>
#map = affine_map<(d0, d1) -> (0, 0)>
#map1 = affine_map<(d0, d1) -> (0, 0, 0, 0)>
#map2 = affine_map<(d0, d1) -> (0, 0, 0)>
module attributes {stable_mosaic.version = 14 : i64} {
  func.func @_sc_agg(%arg0: i32, %arg1: i32, %arg2: memref<10000x128xf32, #tpu.memory_space<hbm>>, %arg3: memref<2x32x80x125xi32, #tpu.memory_space<hbm>>, %arg4: memref<2x10240x128xf32, #tpu.memory_space<hbm>>, %arg5: memref<40x125xi32, #tpu.memory_space<vmem>>, %arg6: memref<40x125xi32, #tpu.memory_space<vmem>>, %arg7: memref<2x125x128xf32, #tpu.memory_space<vmem>>, %arg8: memref<10240x128xf32, #tpu.memory_space<vmem_shared>>, %arg9: memref<!tpu.dma_semaphore, #tpu.memory_space<semaphore_mem>>, %arg10: memref<!tpu.dma_semaphore, #tpu.memory_space<semaphore_mem>>) attributes {dimension_semantics = [#tpu.dimension_semantics<core_parallel>, #tpu.dimension_semantics<subcore_parallel>], iteration_bounds = array<i64: 2, 16>, scalar_prefetch = 0 : i64, scratch_operands = 6 : i64, tpu.core_type = #tpu.core_type<sc_vector_subcore>, window_params = [{transform_indices = #map}, {transform_indices = #map1}, {transform_indices = #map2}]} {
    %mul3A = arith.constant 2 : i32
    %mul3A_0 = arith.muli %arg1, %mul3A : i32
    %add3A = arith.addi %mul3A_0, %arg0 : i32
    %run_scoped3A = arith.constant 0 : i32
    "tpu.region"() ({
      %run_scoped3A_612 = tpu.sem_alloc : memref<!tpu.dma_semaphore, #tpu.memory_space<semaphore_mem>>
      %dma_start3A_613 = arith.constant 0 : i32
      %dma_start3A_614 = arith.constant 0 : i32
      %dma_start3A_615 = tpu.memref_slice %arg3[%run_scoped3A, %add3A, %dma_start3A_613, %dma_start3A_614] : memref<2x32x80x125xi32, #tpu.memory_space<hbm>> -> memref<1x1x40x125xi32, #tpu.memory_space<hbm>>
      %dma_start3A_616 = tpu.memref_squeeze %dma_start3A_615 : memref<1x1x40x125xi32, #tpu.memory_space<hbm>> -> memref<40x125xi32, #tpu.memory_space<hbm>>
      %dma_start3A_617 = arith.constant 0 : i32
      %dma_start3A_618 = arith.constant 0 : i32
      %dma_start3A_619 = tpu.memref_slice %arg3[%run_scoped3A, %add3A, %dma_start3A_617, %dma_start3A_618] : memref<2x32x80x125xi32, #tpu.memory_space<hbm>> -> memref<1x1x40x125xi32, #tpu.memory_space<hbm>>
      %dma_start3A_620 = tpu.memref_squeeze %dma_start3A_619 : memref<1x1x40x125xi32, #tpu.memory_space<hbm>> -> memref<40x125xi32, #tpu.memory_space<hbm>>
      tpu.enqueue_dma source(%dma_start3A_620 : memref<40x125xi32, #tpu.memory_space<hbm>>) target(%arg5 : memref<40x125xi32, #tpu.memory_space<vmem>>) target_semaphore(%run_scoped3A_612 : memref<!tpu.dma_semaphore, #tpu.memory_space<semaphore_mem>>)
      %dma_wait3A_621 = arith.constant 0 : i32
      %dma_wait3A_622 = arith.constant 0 : i32
      %dma_wait3A_623 = tpu.memref_slice %arg3[%run_scoped3A, %add3A, %dma_wait3A_621, %dma_wait3A_622] : memref<2x32x80x125xi32, #tpu.memory_space<hbm>> -> memref<1x1x40x125xi32, #tpu.memory_space<hbm>>
      %dma_wait3A_624 = tpu.memref_squeeze %dma_wait3A_623 : memref<1x1x40x125xi32, #tpu.memory_space<hbm>> -> memref<40x125xi32, #tpu.memory_space<hbm>>
      %dma_wait3A_625 = arith.constant 0 : i32
      %dma_wait3A_626 = arith.constant 0 : i32
      %dma_wait3A_627 = tpu.memref_slice %arg3[%run_scoped3A, %add3A, %dma_wait3A_625, %dma_wait3A_626] : memref<2x32x80x125xi32, #tpu.memory_space<hbm>> -> memref<1x1x40x125xi32, #tpu.memory_space<hbm>>
      %dma_wait3A_628 = tpu.memref_squeeze %dma_wait3A_627 : memref<1x1x40x125xi32, #tpu.memory_space<hbm>> -> memref<40x125xi32, #tpu.memory_space<hbm>>
      tpu.wait_dma2 semaphore(%run_scoped3A_612 : memref<!tpu.dma_semaphore, #tpu.memory_space<semaphore_mem>>) src(%dma_wait3A_628 : memref<40x125xi32, #tpu.memory_space<hbm>>) dst(%arg5 : memref<40x125xi32, #tpu.memory_space<vmem>>)
      tpu.yield
    }) : () -> ()
    %run_scoped3A_1 = arith.constant 1 : i32
    "tpu.region"() ({
      %run_scoped3A_612 = tpu.sem_alloc : memref<!tpu.dma_semaphore, #tpu.memory_space<semaphore_mem>>
      %dma_start3A_613 = arith.constant 0 : i32
      %dma_start3A_614 = arith.constant 0 : i32
      %dma_start3A_615 = tpu.memref_slice %arg3[%run_scoped3A_1, %add3A, %dma_start3A_613, %dma_start3A_614] : memref<2x32x80x125xi32, #tpu.memory_space<hbm>> -> memref<1x1x40x125xi32, #tpu.memory_space<hbm>>
      %dma_start3A_616 = tpu.memref_squeeze %dma_start3A_615 : memref<1x1x40x125xi32, #tpu.memory_space<hbm>> -> memref<40x125xi32, #tpu.memory_space<hbm>>
      %dma_start3A_617 = arith.constant 0 : i32
      %dma_start3A_618 = arith.constant 0 : i32
      %dma_start3A_619 = tpu.memref_slice %arg3[%run_scoped3A_1, %add3A, %dma_start3A_617, %dma_start3A_618] : memref<2x32x80x125xi32, #tpu.memory_space<hbm>> -> memref<1x1x40x125xi32, #tpu.memory_space<hbm>>
      %dma_start3A_620 = tpu.memref_squeeze %dma_start3A_619 : memref<1x1x40x125xi32, #tpu.memory_space<hbm>> -> memref<40x125xi32, #tpu.memory_space<hbm>>
      tpu.enqueue_dma source(%dma_start3A_620 : memref<40x125xi32, #tpu.memory_space<hbm>>) target(%arg6 : memref<40x125xi32, #tpu.memory_space<vmem>>) target_semaphore(%run_scoped3A_612 : memref<!tpu.dma_semaphore, #tpu.memory_space<semaphore_mem>>)
      %dma_wait3A_621 = arith.constant 0 : i32
      %dma_wait3A_622 = arith.constant 0 : i32
      %dma_wait3A_623 = tpu.memref_slice %arg3[%run_scoped3A_1, %add3A, %dma_wait3A_621, %dma_wait3A_622] : memref<2x32x80x125xi32, #tpu.memory_space<hbm>> -> memref<1x1x40x125xi32, #tpu.memory_space<hbm>>
      %dma_wait3A_624 = tpu.memref_squeeze %dma_wait3A_623 : memref<1x1x40x125xi32, #tpu.memory_space<hbm>> -> memref<40x125xi32, #tpu.memory_space<hbm>>
      %dma_wait3A_625 = arith.constant 0 : i32
      %dma_wait3A_626 = arith.constant 0 : i32
      %dma_wait3A_627 = tpu.memref_slice %arg3[%run_scoped3A_1, %add3A, %dma_wait3A_625, %dma_wait3A_626] : memref<2x32x80x125xi32, #tpu.memory_space<hbm>> -> memref<1x1x40x125xi32, #tpu.memory_space<hbm>>
      %dma_wait3A_628 = tpu.memref_squeeze %dma_wait3A_627 : memref<1x1x40x125xi32, #tpu.memory_space<hbm>> -> memref<40x125xi32, #tpu.memory_space<hbm>>
      tpu.wait_dma2 semaphore(%run_scoped3A_612 : memref<!tpu.dma_semaphore, #tpu.memory_space<semaphore_mem>>) src(%dma_wait3A_628 : memref<40x125xi32, #tpu.memory_space<hbm>>) dst(%arg6 : memref<40x125xi32, #tpu.memory_space<vmem>>)
      tpu.yield
    }) : () -> ()
    %dma_start3A = arith.constant 0 : i32
    %dma_start3A_2 = arith.constant 0 : i32
    %dma_start3A_3 = arith.constant 0 : i32
    %dma_start3A_4 = arith.constant 0 : i32
    %dma_start3A_5 = tpu.memref_slice %arg7[%dma_start3A_2, %dma_start3A_3, %dma_start3A_4] : memref<2x125x128xf32, #tpu.memory_space<vmem>> -> memref<1x125x128xf32, #tpu.memory_space<vmem>>
    %dma_start3A_6 = tpu.memref_squeeze %dma_start3A_5 : memref<1x125x128xf32, #tpu.memory_space<vmem>> -> memref<125x128xf32, #tpu.memory_space<vmem>>
    %dma_start3A_7 = arith.constant 0 : i32
    %dma_start3A_8 = tpu.memref_slice %arg5[%dma_start3A, %dma_start3A_7] : memref<40x125xi32, #tpu.memory_space<vmem>> -> memref<1x125xi32, #tpu.memory_space<vmem>>
    %dma_start3A_9 = tpu.memref_squeeze %dma_start3A_8 : memref<1x125xi32, #tpu.memory_space<vmem>> -> memref<125xi32, #tpu.memory_space<vmem>>
    %dma_start3A_10 = arith.constant 0 : i32
    %dma_start3A_11 = arith.constant 0 : i32
    %dma_start3A_12 = tpu.memref_slice %arg2[%dma_start3A_10, %dma_start3A_11] : memref<10000x128xf32, #tpu.memory_space<hbm>> -> memref<10000x128xf32, #tpu.memory_space<hbm>>
    tpu.enqueue_indirect_dma source(%dma_start3A_12 : memref<10000x128xf32, #tpu.memory_space<hbm>>) target(%dma_start3A_6 : memref<125x128xf32, #tpu.memory_space<vmem>>) offsets(%dma_start3A_9 : memref<125xi32, #tpu.memory_space<vmem>>) semaphore(%arg9 : memref<!tpu.dma_semaphore, #tpu.memory_space<semaphore_mem>>)
    %scan3A = arith.constant 0 : i32
    %scan3A_13 = arith.constant 0 : i32
    %scan3A_14 = arith.constant 80 : i32
    %scan3A_15 = arith.addi %scan3A_13, %scan3A_14 : i32
    %scan3A_16 = arith.constant 1 : i32
    scf.for %scan3A_612 = %scan3A_13 to %scan3A_15 step %scan3A_16  : i32 {
      %broadcast_in_dim3A = arith.constant 0.000000e+00 : f32
      %broadcast_in_dim3A_613 = vector.broadcast %broadcast_in_dim3A : f32 to vector<16xf32>
      %swap3A = arith.constant 1 : i32
      %swap3A_614 = arith.index_cast %swap3A : i32 to index
      %swap3A_615 = arith.index_cast %scan3A_612 : i32 to index
      %swap3A_616 = arith.constant 0 : index
      %swap3A_617 = tpu.vector_load %arg7[%swap3A_614, %swap3A_615, %swap3A_616] {strides = array<i32>} : memref<2x125x128xf32, #tpu.memory_space<vmem>>, vector<1x1x16xf32>,
      %swap3A_618 = vector.shape_cast %swap3A_617 : vector<1x1x16xf32> to vector<16xf32>
      %swap3A_619 = vector.shape_cast %broadcast_in_dim3A_613 : vector<16xf32> to vector<1x1x16xf32>
      tpu.vector_store %arg7[%swap3A_614, %swap3A_615, %swap3A_616], %swap3A_619 {strides = array<i32>} : memref<2x125x128xf32, #tpu.memory_space<vmem>>, vector<1x1x16xf32>,
      %broadcast_in_dim3A_620 = arith.constant 0.000000e+00 : f32
      %broadcast_in_dim3A_621 = vector.broadcast %broadcast_in_dim3A_620 : f32 to vector<16xf32>
      %swap3A_622 = arith.constant 1 : i32
      %swap3A_623 = arith.index_cast %swap3A_622 : i32 to index
      %swap3A_624 = arith.index_cast %scan3A_612 : i32 to index
      %swap3A_625 = arith.constant 16 : index
      %swap3A_626 = tpu.vector_load %arg7[%swap3A_623, %swap3A_624, %swap3A_625] {strides = array<i32>} : memref<2x125x128xf32, #tpu.memory_space<vmem>>, vector<1x1x16xf32>,
      %swap3A_627 = vector.shape_cast %swap3A_626 : vector<1x1x16xf32> to vector<16xf32>
      %swap3A_628 = vector.shape_cast %broadcast_in_dim3A_621 : vector<16xf32> to vector<1x1x16xf32>
      tpu.vector_store %arg7[%swap3A_623, %swap3A_624, %swap3A_625], %swap3A_628 {strides = array<i32>} : memref<2x125x128xf32, #tpu.memory_space<vmem>>, vector<1x1x16xf32>,
      %broadcast_in_dim3A_629 = arith.constant 0.000000e+00 : f32
      %broadcast_in_dim3A_630 = vector.broadcast %broadcast_in_dim3A_629 : f32 to vector<16xf32>
      %swap3A_631 = arith.constant 1 : i32
      %swap3A_632 = arith.index_cast %swap3A_631 : i32 to index
      %swap3A_633 = arith.index_cast %scan3A_612 : i32 to index
      %swap3A_634 = arith.constant 32 : index
      %swap3A_635 = tpu.vector_load %arg7[%swap3A_632, %swap3A_633, %swap3A_634] {strides = array<i32>} : memref<2x125x128xf32, #tpu.memory_space<vmem>>, vector<1x1x16xf32>,
      %swap3A_636 = vector.shape_cast %swap3A_635 : vector<1x1x16xf32> to vector<16xf32>
      %swap3A_637 = vector.shape_cast %broadcast_in_dim3A_630 : vector<16xf32> to vector<1x1x16xf32>
      tpu.vector_store %arg7[%swap3A_632, %swap3A_633, %swap3A_634], %swap3A_637 {strides = array<i32>} : memref<2x125x128xf32, #tpu.memory_space<vmem>>, vector<1x1x16xf32>,
      %broadcast_in_dim3A_638 = arith.constant 0.000000e+00 : f32
      %broadcast_in_dim3A_639 = vector.broadcast %broadcast_in_dim3A_638 : f32 to vector<16xf32>
      %swap3A_640 = arith.constant 1 : i32
      %swap3A_641 = arith.index_cast %swap3A_640 : i32 to index
      %swap3A_642 = arith.index_cast %scan3A_612 : i32 to index
      %swap3A_643 = arith.constant 48 : index
      %swap3A_644 = tpu.vector_load %arg7[%swap3A_641, %swap3A_642, %swap3A_643] {strides = array<i32>} : memref<2x125x128xf32, #tpu.memory_space<vmem>>, vector<1x1x16xf32>,
      %swap3A_645 = vector.shape_cast %swap3A_644 : vector<1x1x16xf32> to vector<16xf32>
      %swap3A_646 = vector.shape_cast %broadcast_in_dim3A_639 : vector<16xf32> to vector<1x1x16xf32>
      tpu.vector_store %arg7[%swap3A_641, %swap3A_642, %swap3A_643], %swap3A_646 {strides = array<i32>} : memref<2x125x128xf32, #tpu.memory_space<vmem>>, vector<1x1x16xf32>,
      %broadcast_in_dim3A_647 = arith.constant 0.000000e+00 : f32
      %broadcast_in_dim3A_648 = vector.broadcast %broadcast_in_dim3A_647 : f32 to vector<16xf32>
      %swap3A_649 = arith.constant 1 : i32
      %swap3A_650 = arith.index_cast %swap3A_649 : i32 to index
      %swap3A_651 = arith.index_cast %scan3A_612 : i32 to index
      %swap3A_652 = arith.constant 64 : index
      %swap3A_653 = tpu.vector_load %arg7[%swap3A_650, %swap3A_651, %swap3A_652] {strides = array<i32>} : memref<2x125x128xf32, #tpu.memory_space<vmem>>, vector<1x1x16xf32>,
      %swap3A_654 = vector.shape_cast %swap3A_653 : vector<1x1x16xf32> to vector<16xf32>
      %swap3A_655 = vector.shape_cast %broadcast_in_dim3A_648 : vector<16xf32> to vector<1x1x16xf32>
      tpu.vector_store %arg7[%swap3A_650, %swap3A_651, %swap3A_652], %swap3A_655 {strides = array<i32>} : memref<2x125x128xf32, #tpu.memory_space<vmem>>, vector<1x1x16xf32>,
      %broadcast_in_dim3A_656 = arith.constant 0.000000e+00 : f32
      %broadcast_in_dim3A_657 = vector.broadcast %broadcast_in_dim3A_656 : f32 to vector<16xf32>
      %swap3A_658 = arith.constant 1 : i32
      %swap3A_659 = arith.index_cast %swap3A_658 : i32 to index
      %swap3A_660 = arith.index_cast %scan3A_612 : i32 to index
      %swap3A_661 = arith.constant 80 : index
      %swap3A_662 = tpu.vector_load %arg7[%swap3A_659, %swap3A_660, %swap3A_661] {strides = array<i32>} : memref<2x125x128xf32, #tpu.memory_space<vmem>>, vector<1x1x16xf32>,
      %swap3A_663 = vector.shape_cast %swap3A_662 : vector<1x1x16xf32> to vector<16xf32>
      %swap3A_664 = vector.shape_cast %broadcast_in_dim3A_657 : vector<16xf32> to vector<1x1x16xf32>
      tpu.vector_store %arg7[%swap3A_659, %swap3A_660, %swap3A_661], %swap3A_664 {strides = array<i32>} : memref<2x125x128xf32, #tpu.memory_space<vmem>>, vector<1x1x16xf32>,
      %broadcast_in_dim3A_665 = arith.constant 0.000000e+00 : f32
      %broadcast_in_dim3A_666 = vector.broadcast %broadcast_in_dim3A_665 : f32 to vector<16xf32>
      %swap3A_667 = arith.constant 1 : i32
      %swap3A_668 = arith.index_cast %swap3A_667 : i32 to index
      %swap3A_669 = arith.index_cast %scan3A_612 : i32 to index
      %swap3A_670 = arith.constant 96 : index
      %swap3A_671 = tpu.vector_load %arg7[%swap3A_668, %swap3A_669, %swap3A_670] {strides = array<i32>} : memref<2x125x128xf32, #tpu.memory_space<vmem>>, vector<1x1x16xf32>,
      %swap3A_672 = vector.shape_cast %swap3A_671 : vector<1x1x16xf32> to vector<16xf32>
      %swap3A_673 = vector.shape_cast %broadcast_in_dim3A_666 : vector<16xf32> to vector<1x1x16xf32>
      tpu.vector_store %arg7[%swap3A_668, %swap3A_669, %swap3A_670], %swap3A_673 {strides = array<i32>} : memref<2x125x128xf32, #tpu.memory_space<vmem>>, vector<1x1x16xf32>,
      %broadcast_in_dim3A_674 = arith.constant 0.000000e+00 : f32
      %broadcast_in_dim3A_675 = vector.broadcast %broadcast_in_dim3A_674 : f32 to vector<16xf32>
      %swap3A_676 = arith.constant 1 : i32
      %swap3A_677 = arith.index_cast %swap3A_676 : i32 to index
      %swap3A_678 = arith.index_cast %scan3A_612 : i32 to index
      %swap3A_679 = arith.constant 112 : index
      %swap3A_680 = tpu.vector_load %arg7[%swap3A_677, %swap3A_678, %swap3A_679] {strides = array<i32>} : memref<2x125x128xf32, #tpu.memory_space<vmem>>, vector<1x1x16xf32>,
      %swap3A_681 = vector.shape_cast %swap3A_680 : vector<1x1x16xf32> to vector<16xf32>
      %swap3A_682 = vector.shape_cast %broadcast_in_dim3A_675 : vector<16xf32> to vector<1x1x16xf32>
      tpu.vector_store %arg7[%swap3A_677, %swap3A_678, %swap3A_679], %swap3A_682 {strides = array<i32>} : memref<2x125x128xf32, #tpu.memory_space<vmem>>, vector<1x1x16xf32>,
    }
    %scan3A_17 = arith.constant 80 : i32
    %mul3A_18 = arith.constant 640 : i32
    %mul3A_19 = arith.muli %arg1, %mul3A_18 : i32
    %add3A_20 = arith.constant 0 : i32
    %add3A_21 = arith.addi %mul3A_19, %add3A_20 : i32
    %dma_start3A_22 = arith.constant 1 : i32
    %dma_start3A_23 = arith.constant 0 : i32
    %dma_start3A_24 = arith.constant 0 : i32
    %dma_start3A_25 = tpu.memref_slice %arg7[%dma_start3A_22, %dma_start3A_23, %dma_start3A_24] : memref<2x125x128xf32, #tpu.memory_space<vmem>> -> memref<1x80x128xf32, #tpu.memory_space<vmem>>
    %dma_start3A_26 = tpu.memref_squeeze %dma_start3A_25 : memref<1x80x128xf32, #tpu.memory_space<vmem>> -> memref<80x128xf32, #tpu.memory_space<vmem>>
    %dma_start3A_27 = arith.constant 0 : i32
    %dma_start3A_28 = tpu.memref_slice %arg8[%add3A_21, %dma_start3A_27] : memref<10240x128xf32, #tpu.memory_space<vmem_shared>> -> memref<80x128xf32, #tpu.memory_space<vmem_shared>>
    %dma_start3A_29 = arith.constant 0 : i32
    %dma_start3A_30 = tpu.memref_slice %arg8[%add3A_21, %dma_start3A_29] : memref<10240x128xf32, #tpu.memory_space<vmem_shared>> -> memref<80x128xf32, #tpu.memory_space<vmem_shared>>
    %dma_start3A_31 = arith.constant 0 : i32
    %dma_start3A_32 = arith.constant 0 : i32
    %dma_start3A_33 = tpu.memref_slice %arg7[%dma_start3A_22, %dma_start3A_31, %dma_start3A_32] : memref<2x125x128xf32, #tpu.memory_space<vmem>> -> memref<1x80x128xf32, #tpu.memory_space<vmem>>
    %dma_start3A_34 = tpu.memref_squeeze %dma_start3A_33 : memref<1x80x128xf32, #tpu.memory_space<vmem>> -> memref<80x128xf32, #tpu.memory_space<vmem>>
    tpu.enqueue_dma source(%dma_start3A_34 : memref<80x128xf32, #tpu.memory_space<vmem>>) target(%dma_start3A_30 : memref<80x128xf32, #tpu.memory_space<vmem_shared>>) target_semaphore(%arg10 : memref<!tpu.dma_semaphore, #tpu.memory_space<semaphore_mem>>)
    %mul3A_35 = arith.constant 640 : i32
    %mul3A_36 = arith.muli %arg1, %mul3A_35 : i32
    %add3A_37 = arith.constant 80 : i32
    %add3A_38 = arith.addi %mul3A_36, %add3A_37 : i32
    %dma_start3A_39 = arith.constant 1 : i32
    %dma_start3A_40 = arith.constant 0 : i32
    %dma_start3A_41 = arith.constant 0 : i32
    %dma_start3A_42 = tpu.memref_slice %arg7[%dma_start3A_39, %dma_start3A_40, %dma_start3A_41] : memref<2x125x128xf32, #tpu.memory_space<vmem>> -> memref<1x80x128xf32, #tpu.memory_space<vmem>>
    %dma_start3A_43 = tpu.memref_squeeze %dma_start3A_42 : memref<1x80x128xf32, #tpu.memory_space<vmem>> -> memref<80x128xf32, #tpu.memory_space<vmem>>
    %dma_start3A_44 = arith.constant 0 : i32
    %dma_start3A_45 = tpu.memref_slice %arg8[%add3A_38, %dma_start3A_44] : memref<10240x128xf32, #tpu.memory_space<vmem_shared>> -> memref<80x128xf32, #tpu.memory_space<vmem_shared>>
    %dma_start3A_46 = arith.constant 0 : i32
    %dma_start3A_47 = tpu.memref_slice %arg8[%add3A_38, %dma_start3A_46] : memref<10240x128xf32, #tpu.memory_space<vmem_shared>> -> memref<80x128xf32, #tpu.memory_space<vmem_shared>>
    %dma_start3A_48 = arith.constant 0 : i32
    %dma_start3A_49 = arith.constant 0 : i32
    %dma_start3A_50 = tpu.memref_slice %arg7[%dma_start3A_39, %dma_start3A_48, %dma_start3A_49] : memref<2x125x128xf32, #tpu.memory_space<vmem>> -> memref<1x80x128xf32, #tpu.memory_space<vmem>>
    %dma_start3A_51 = tpu.memref_squeeze %dma_start3A_50 : memref<1x80x128xf32, #tpu.memory_space<vmem>> -> memref<80x128xf32, #tpu.memory_space<vmem>>
    tpu.enqueue_dma source(%dma_start3A_51 : memref<80x128xf32, #tpu.memory_space<vmem>>) target(%dma_start3A_47 : memref<80x128xf32, #tpu.memory_space<vmem_shared>>) target_semaphore(%arg10 : memref<!tpu.dma_semaphore, #tpu.memory_space<semaphore_mem>>)
    %mul3A_52 = arith.constant 640 : i32
    %mul3A_53 = arith.muli %arg1, %mul3A_52 : i32
    %add3A_54 = arith.constant 160 : i32
    %add3A_55 = arith.addi %mul3A_53, %add3A_54 : i32
    %dma_start3A_56 = arith.constant 1 : i32
    %dma_start3A_57 = arith.constant 0 : i32
    %dma_start3A_58 = arith.constant 0 : i32
    %dma_start3A_59 = tpu.memref_slice %arg7[%dma_start3A_56, %dma_start3A_57, %dma_start3A_58] : memref<2x125x128xf32, #tpu.memory_space<vmem>> -> memref<1x80x128xf32, #tpu.memory_space<vmem>>
    %dma_start3A_60 = tpu.memref_squeeze %dma_start3A_59 : memref<1x80x128xf32, #tpu.memory_space<vmem>> -> memref<80x128xf32, #tpu.memory_space<vmem>>
    %dma_start3A_61 = arith.constant 0 : i32
    %dma_start3A_62 = tpu.memref_slice %arg8[%add3A_55, %dma_start3A_61] : memref<10240x128xf32, #tpu.memory_space<vmem_shared>> -> memref<80x128xf32, #tpu.memory_space<vmem_shared>>
    %dma_start3A_63 = arith.constant 0 : i32
    %dma_start3A_64 = tpu.memref_slice %arg8[%add3A_55, %dma_start3A_63] : memref<10240x128xf32, #tpu.memory_space<vmem_shared>> -> memref<80x128xf32, #tpu.memory_space<vmem_shared>>
    %dma_start3A_65 = arith.constant 0 : i32
    %dma_start3A_66 = arith.constant 0 : i32
    %dma_start3A_67 = tpu.memref_slice %arg7[%dma_start3A_56, %dma_start3A_65, %dma_start3A_66] : memref<2x125x128xf32, #tpu.memory_space<vmem>> -> memref<1x80x128xf32, #tpu.memory_space<vmem>>
    %dma_start3A_68 = tpu.memref_squeeze %dma_start3A_67 : memref<1x80x128xf32, #tpu.memory_space<vmem>> -> memref<80x128xf32, #tpu.memory_space<vmem>>
    tpu.enqueue_dma source(%dma_start3A_68 : memref<80x128xf32, #tpu.memory_space<vmem>>) target(%dma_start3A_64 : memref<80x128xf32, #tpu.memory_space<vmem_shared>>) target_semaphore(%arg10 : memref<!tpu.dma_semaphore, #tpu.memory_space<semaphore_mem>>)
    %mul3A_69 = arith.constant 640 : i32
    %mul3A_70 = arith.muli %arg1, %mul3A_69 : i32
    %add3A_71 = arith.constant 240 : i32
    %add3A_72 = arith.addi %mul3A_70, %add3A_71 : i32
    %dma_start3A_73 = arith.constant 1 : i32
    %dma_start3A_74 = arith.constant 0 : i32
    %dma_start3A_75 = arith.constant 0 : i32
    %dma_start3A_76 = tpu.memref_slice %arg7[%dma_start3A_73, %dma_start3A_74, %dma_start3A_75] : memref<2x125x128xf32, #tpu.memory_space<vmem>> -> memref<1x80x128xf32, #tpu.memory_space<vmem>>
    %dma_start3A_77 = tpu.memref_squeeze %dma_start3A_76 : memref<1x80x128xf32, #tpu.memory_space<vmem>> -> memref<80x128xf32, #tpu.memory_space<vmem>>
    %dma_start3A_78 = arith.constant 0 : i32
    %dma_start3A_79 = tpu.memref_slice %arg8[%add3A_72, %dma_start3A_78] : memref<10240x128xf32, #tpu.memory_space<vmem_shared>> -> memref<80x128xf32, #tpu.memory_space<vmem_shared>>
    %dma_start3A_80 = arith.constant 0 : i32
    %dma_start3A_81 = tpu.memref_slice %arg8[%add3A_72, %dma_start3A_80] : memref<10240x128xf32, #tpu.memory_space<vmem_shared>> -> memref<80x128xf32, #tpu.memory_space<vmem_shared>>
    %dma_start3A_82 = arith.constant 0 : i32
    %dma_start3A_83 = arith.constant 0 : i32
    %dma_start3A_84 = tpu.memref_slice %arg7[%dma_start3A_73, %dma_start3A_82, %dma_start3A_83] : memref<2x125x128xf32, #tpu.memory_space<vmem>> -> memref<1x80x128xf32, #tpu.memory_space<vmem>>
    %dma_start3A_85 = tpu.memref_squeeze %dma_start3A_84 : memref<1x80x128xf32, #tpu.memory_space<vmem>> -> memref<80x128xf32, #tpu.memory_space<vmem>>
    tpu.enqueue_dma source(%dma_start3A_85 : memref<80x128xf32, #tpu.memory_space<vmem>>) target(%dma_start3A_81 : memref<80x128xf32, #tpu.memory_space<vmem_shared>>) target_semaphore(%arg10 : memref<!tpu.dma_semaphore, #tpu.memory_space<semaphore_mem>>)
    %mul3A_86 = arith.constant 640 : i32
    %mul3A_87 = arith.muli %arg1, %mul3A_86 : i32
    %add3A_88 = arith.constant 320 : i32
    %add3A_89 = arith.addi %mul3A_87, %add3A_88 : i32
    %dma_start3A_90 = arith.constant 1 : i32
    %dma_start3A_91 = arith.constant 0 : i32
    %dma_start3A_92 = arith.constant 0 : i32
    %dma_start3A_93 = tpu.memref_slice %arg7[%dma_start3A_90, %dma_start3A_91, %dma_start3A_92] : memref<2x125x128xf32, #tpu.memory_space<vmem>> -> memref<1x80x128xf32, #tpu.memory_space<vmem>>
    %dma_start3A_94 = tpu.memref_squeeze %dma_start3A_93 : memref<1x80x128xf32, #tpu.memory_space<vmem>> -> memref<80x128xf32, #tpu.memory_space<vmem>>
    %dma_start3A_95 = arith.constant 0 : i32
    %dma_start3A_96 = tpu.memref_slice %arg8[%add3A_89, %dma_start3A_95] : memref<10240x128xf32, #tpu.memory_space<vmem_shared>> -> memref<80x128xf32, #tpu.memory_space<vmem_shared>>
    %dma_start3A_97 = arith.constant 0 : i32
    %dma_start3A_98 = tpu.memref_slice %arg8[%add3A_89, %dma_start3A_97] : memref<10240x128xf32, #tpu.memory_space<vmem_shared>> -> memref<80x128xf32, #tpu.memory_space<vmem_shared>>
    %dma_start3A_99 = arith.constant 0 : i32
    %dma_start3A_100 = arith.constant 0 : i32
    %dma_start3A_101 = tpu.memref_slice %arg7[%dma_start3A_90, %dma_start3A_99, %dma_start3A_100] : memref<2x125x128xf32, #tpu.memory_space<vmem>> -> memref<1x80x128xf32, #tpu.memory_space<vmem>>
    %dma_start3A_102 = tpu.memref_squeeze %dma_start3A_101 : memref<1x80x128xf32, #tpu.memory_space<vmem>> -> memref<80x128xf32, #tpu.memory_space<vmem>>
    tpu.enqueue_dma source(%dma_start3A_102 : memref<80x128xf32, #tpu.memory_space<vmem>>) target(%dma_start3A_98 : memref<80x128xf32, #tpu.memory_space<vmem_shared>>) target_semaphore(%arg10 : memref<!tpu.dma_semaphore, #tpu.memory_space<semaphore_mem>>)
    %mul3A_103 = arith.constant 640 : i32
    %mul3A_104 = arith.muli %arg1, %mul3A_103 : i32
    %add3A_105 = arith.constant 400 : i32
    %add3A_106 = arith.addi %mul3A_104, %add3A_105 : i32
    %dma_start3A_107 = arith.constant 1 : i32
    %dma_start3A_108 = arith.constant 0 : i32
    %dma_start3A_109 = arith.constant 0 : i32
    %dma_start3A_110 = tpu.memref_slice %arg7[%dma_start3A_107, %dma_start3A_108, %dma_start3A_109] : memref<2x125x128xf32, #tpu.memory_space<vmem>> -> memref<1x80x128xf32, #tpu.memory_space<vmem>>
    %dma_start3A_111 = tpu.memref_squeeze %dma_start3A_110 : memref<1x80x128xf32, #tpu.memory_space<vmem>> -> memref<80x128xf32, #tpu.memory_space<vmem>>
    %dma_start3A_112 = arith.constant 0 : i32
    %dma_start3A_113 = tpu.memref_slice %arg8[%add3A_106, %dma_start3A_112] : memref<10240x128xf32, #tpu.memory_space<vmem_shared>> -> memref<80x128xf32, #tpu.memory_space<vmem_shared>>
    %dma_start3A_114 = arith.constant 0 : i32
    %dma_start3A_115 = tpu.memref_slice %arg8[%add3A_106, %dma_start3A_114] : memref<10240x128xf32, #tpu.memory_space<vmem_shared>> -> memref<80x128xf32, #tpu.memory_space<vmem_shared>>
    %dma_start3A_116 = arith.constant 0 : i32
    %dma_start3A_117 = arith.constant 0 : i32
    %dma_start3A_118 = tpu.memref_slice %arg7[%dma_start3A_107, %dma_start3A_116, %dma_start3A_117] : memref<2x125x128xf32, #tpu.memory_space<vmem>> -> memref<1x80x128xf32, #tpu.memory_space<vmem>>
    %dma_start3A_119 = tpu.memref_squeeze %dma_start3A_118 : memref<1x80x128xf32, #tpu.memory_space<vmem>> -> memref<80x128xf32, #tpu.memory_space<vmem>>
    tpu.enqueue_dma source(%dma_start3A_119 : memref<80x128xf32, #tpu.memory_space<vmem>>) target(%dma_start3A_115 : memref<80x128xf32, #tpu.memory_space<vmem_shared>>) target_semaphore(%arg10 : memref<!tpu.dma_semaphore, #tpu.memory_space<semaphore_mem>>)
    %mul3A_120 = arith.constant 640 : i32
    %mul3A_121 = arith.muli %arg1, %mul3A_120 : i32
    %add3A_122 = arith.constant 480 : i32
    %add3A_123 = arith.addi %mul3A_121, %add3A_122 : i32
    %dma_start3A_124 = arith.constant 1 : i32
    %dma_start3A_125 = arith.constant 0 : i32
    %dma_start3A_126 = arith.constant 0 : i32
    %dma_start3A_127 = tpu.memref_slice %arg7[%dma_start3A_124, %dma_start3A_125, %dma_start3A_126] : memref<2x125x128xf32, #tpu.memory_space<vmem>> -> memref<1x80x128xf32, #tpu.memory_space<vmem>>
    %dma_start3A_128 = tpu.memref_squeeze %dma_start3A_127 : memref<1x80x128xf32, #tpu.memory_space<vmem>> -> memref<80x128xf32, #tpu.memory_space<vmem>>
    %dma_start3A_129 = arith.constant 0 : i32
    %dma_start3A_130 = tpu.memref_slice %arg8[%add3A_123, %dma_start3A_129] : memref<10240x128xf32, #tpu.memory_space<vmem_shared>> -> memref<80x128xf32, #tpu.memory_space<vmem_shared>>
    %dma_start3A_131 = arith.constant 0 : i32
    %dma_start3A_132 = tpu.memref_slice %arg8[%add3A_123, %dma_start3A_131] : memref<10240x128xf32, #tpu.memory_space<vmem_shared>> -> memref<80x128xf32, #tpu.memory_space<vmem_shared>>
    %dma_start3A_133 = arith.constant 0 : i32
    %dma_start3A_134 = arith.constant 0 : i32
    %dma_start3A_135 = tpu.memref_slice %arg7[%dma_start3A_124, %dma_start3A_133, %dma_start3A_134] : memref<2x125x128xf32, #tpu.memory_space<vmem>> -> memref<1x80x128xf32, #tpu.memory_space<vmem>>
    %dma_start3A_136 = tpu.memref_squeeze %dma_start3A_135 : memref<1x80x128xf32, #tpu.memory_space<vmem>> -> memref<80x128xf32, #tpu.memory_space<vmem>>
    tpu.enqueue_dma source(%dma_start3A_136 : memref<80x128xf32, #tpu.memory_space<vmem>>) target(%dma_start3A_132 : memref<80x128xf32, #tpu.memory_space<vmem_shared>>) target_semaphore(%arg10 : memref<!tpu.dma_semaphore, #tpu.memory_space<semaphore_mem>>)
    %mul3A_137 = arith.constant 640 : i32
    %mul3A_138 = arith.muli %arg1, %mul3A_137 : i32
    %add3A_139 = arith.constant 560 : i32
    %add3A_140 = arith.addi %mul3A_138, %add3A_139 : i32
    %dma_start3A_141 = arith.constant 1 : i32
    %dma_start3A_142 = arith.constant 0 : i32
    %dma_start3A_143 = arith.constant 0 : i32
    %dma_start3A_144 = tpu.memref_slice %arg7[%dma_start3A_141, %dma_start3A_142, %dma_start3A_143] : memref<2x125x128xf32, #tpu.memory_space<vmem>> -> memref<1x80x128xf32, #tpu.memory_space<vmem>>
    %dma_start3A_145 = tpu.memref_squeeze %dma_start3A_144 : memref<1x80x128xf32, #tpu.memory_space<vmem>> -> memref<80x128xf32, #tpu.memory_space<vmem>>
    %dma_start3A_146 = arith.constant 0 : i32
    %dma_start3A_147 = tpu.memref_slice %arg8[%add3A_140, %dma_start3A_146] : memref<10240x128xf32, #tpu.memory_space<vmem_shared>> -> memref<80x128xf32, #tpu.memory_space<vmem_shared>>
    %dma_start3A_148 = arith.constant 0 : i32
    %dma_start3A_149 = tpu.memref_slice %arg8[%add3A_140, %dma_start3A_148] : memref<10240x128xf32, #tpu.memory_space<vmem_shared>> -> memref<80x128xf32, #tpu.memory_space<vmem_shared>>
    %dma_start3A_150 = arith.constant 0 : i32
    %dma_start3A_151 = arith.constant 0 : i32
    %dma_start3A_152 = tpu.memref_slice %arg7[%dma_start3A_141, %dma_start3A_150, %dma_start3A_151] : memref<2x125x128xf32, #tpu.memory_space<vmem>> -> memref<1x80x128xf32, #tpu.memory_space<vmem>>
    %dma_start3A_153 = tpu.memref_squeeze %dma_start3A_152 : memref<1x80x128xf32, #tpu.memory_space<vmem>> -> memref<80x128xf32, #tpu.memory_space<vmem>>
    tpu.enqueue_dma source(%dma_start3A_153 : memref<80x128xf32, #tpu.memory_space<vmem>>) target(%dma_start3A_149 : memref<80x128xf32, #tpu.memory_space<vmem_shared>>) target_semaphore(%arg10 : memref<!tpu.dma_semaphore, #tpu.memory_space<semaphore_mem>>)
    %mul3A_154 = arith.constant 640 : i32
    %mul3A_155 = arith.muli %arg1, %mul3A_154 : i32
    %dma_wait3A = arith.constant 1 : i32
    %dma_wait3A_156 = arith.constant 0 : i32
    %dma_wait3A_157 = arith.constant 0 : i32
    %dma_wait3A_158 = tpu.memref_slice %arg7[%dma_wait3A, %dma_wait3A_156, %dma_wait3A_157] : memref<2x125x128xf32, #tpu.memory_space<vmem>> -> memref<1x80x128xf32, #tpu.memory_space<vmem>>
    %dma_wait3A_159 = tpu.memref_squeeze %dma_wait3A_158 : memref<1x80x128xf32, #tpu.memory_space<vmem>> -> memref<80x128xf32, #tpu.memory_space<vmem>>
    %dma_wait3A_160 = arith.constant 0 : i32
    %dma_wait3A_161 = tpu.memref_slice %arg8[%mul3A_155, %dma_wait3A_160] : memref<10240x128xf32, #tpu.memory_space<vmem_shared>> -> memref<80x128xf32, #tpu.memory_space<vmem_shared>>
    %dma_wait3A_162 = arith.constant 0 : i32
    %dma_wait3A_163 = tpu.memref_slice %arg8[%mul3A_155, %dma_wait3A_162] : memref<10240x128xf32, #tpu.memory_space<vmem_shared>> -> memref<80x128xf32, #tpu.memory_space<vmem_shared>>
    %dma_wait3A_164 = arith.constant 0 : i32
    %dma_wait3A_165 = arith.constant 0 : i32
    %dma_wait3A_166 = tpu.memref_slice %arg7[%dma_wait3A, %dma_wait3A_164, %dma_wait3A_165] : memref<2x125x128xf32, #tpu.memory_space<vmem>> -> memref<1x80x128xf32, #tpu.memory_space<vmem>>
    %dma_wait3A_167 = tpu.memref_squeeze %dma_wait3A_166 : memref<1x80x128xf32, #tpu.memory_space<vmem>> -> memref<80x128xf32, #tpu.memory_space<vmem>>
    tpu.wait_dma2 semaphore(%arg10 : memref<!tpu.dma_semaphore, #tpu.memory_space<semaphore_mem>>) src(%dma_wait3A_167 : memref<80x128xf32, #tpu.memory_space<vmem>>) dst(%dma_wait3A_163 : memref<80x128xf32, #tpu.memory_space<vmem_shared>>)
    %mul3A_168 = arith.constant 640 : i32
    %mul3A_169 = arith.muli %arg1, %mul3A_168 : i32
    %dma_wait3A_170 = arith.constant 1 : i32
    %dma_wait3A_171 = arith.constant 0 : i32
    %dma_wait3A_172 = arith.constant 0 : i32
    %dma_wait3A_173 = tpu.memref_slice %arg7[%dma_wait3A_170, %dma_wait3A_171, %dma_wait3A_172] : memref<2x125x128xf32, #tpu.memory_space<vmem>> -> memref<1x80x128xf32, #tpu.memory_space<vmem>>
    %dma_wait3A_174 = tpu.memref_squeeze %dma_wait3A_173 : memref<1x80x128xf32, #tpu.memory_space<vmem>> -> memref<80x128xf32, #tpu.memory_space<vmem>>
    %dma_wait3A_175 = arith.constant 0 : i32
    %dma_wait3A_176 = tpu.memref_slice %arg8[%mul3A_169, %dma_wait3A_175] : memref<10240x128xf32, #tpu.memory_space<vmem_shared>> -> memref<80x128xf32, #tpu.memory_space<vmem_shared>>
    %dma_wait3A_177 = arith.constant 0 : i32
    %dma_wait3A_178 = tpu.memref_slice %arg8[%mul3A_169, %dma_wait3A_177] : memref<10240x128xf32, #tpu.memory_space<vmem_shared>> -> memref<80x128xf32, #tpu.memory_space<vmem_shared>>
    %dma_wait3A_179 = arith.constant 0 : i32
    %dma_wait3A_180 = arith.constant 0 : i32
    %dma_wait3A_181 = tpu.memref_slice %arg7[%dma_wait3A_170, %dma_wait3A_179, %dma_wait3A_180] : memref<2x125x128xf32, #tpu.memory_space<vmem>> -> memref<1x80x128xf32, #tpu.memory_space<vmem>>
    %dma_wait3A_182 = tpu.memref_squeeze %dma_wait3A_181 : memref<1x80x128xf32, #tpu.memory_space<vmem>> -> memref<80x128xf32, #tpu.memory_space<vmem>>
    tpu.wait_dma2 semaphore(%arg10 : memref<!tpu.dma_semaphore, #tpu.memory_space<semaphore_mem>>) src(%dma_wait3A_182 : memref<80x128xf32, #tpu.memory_space<vmem>>) dst(%dma_wait3A_178 : memref<80x128xf32, #tpu.memory_space<vmem_shared>>)
    %mul3A_183 = arith.constant 640 : i32
    %mul3A_184 = arith.muli %arg1, %mul3A_183 : i32
    %dma_wait3A_185 = arith.constant 1 : i32
    %dma_wait3A_186 = arith.constant 0 : i32
    %dma_wait3A_187 = arith.constant 0 : i32
    %dma_wait3A_188 = tpu.memref_slice %arg7[%dma_wait3A_185, %dma_wait3A_186, %dma_wait3A_187] : memref<2x125x128xf32, #tpu.memory_space<vmem>> -> memref<1x80x128xf32, #tpu.memory_space<vmem>>
    %dma_wait3A_189 = tpu.memref_squeeze %dma_wait3A_188 : memref<1x80x128xf32, #tpu.memory_space<vmem>> -> memref<80x128xf32, #tpu.memory_space<vmem>>
    %dma_wait3A_190 = arith.constant 0 : i32
    %dma_wait3A_191 = tpu.memref_slice %arg8[%mul3A_184, %dma_wait3A_190] : memref<10240x128xf32, #tpu.memory_space<vmem_shared>> -> memref<80x128xf32, #tpu.memory_space<vmem_shared>>
    %dma_wait3A_192 = arith.constant 0 : i32
    %dma_wait3A_193 = tpu.memref_slice %arg8[%mul3A_184, %dma_wait3A_192] : memref<10240x128xf32, #tpu.memory_space<vmem_shared>> -> memref<80x128xf32, #tpu.memory_space<vmem_shared>>
    %dma_wait3A_194 = arith.constant 0 : i32
    %dma_wait3A_195 = arith.constant 0 : i32
    %dma_wait3A_196 = tpu.memref_slice %arg7[%dma_wait3A_185, %dma_wait3A_194, %dma_wait3A_195] : memref<2x125x128xf32, #tpu.memory_space<vmem>> -> memref<1x80x128xf32, #tpu.memory_space<vmem>>
    %dma_wait3A_197 = tpu.memref_squeeze %dma_wait3A_196 : memref<1x80x128xf32, #tpu.memory_space<vmem>> -> memref<80x128xf32, #tpu.memory_space<vmem>>
    tpu.wait_dma2 semaphore(%arg10 : memref<!tpu.dma_semaphore, #tpu.memory_space<semaphore_mem>>) src(%dma_wait3A_197 : memref<80x128xf32, #tpu.memory_space<vmem>>) dst(%dma_wait3A_193 : memref<80x128xf32, #tpu.memory_space<vmem_shared>>)
    %mul3A_198 = arith.constant 640 : i32
    %mul3A_199 = arith.muli %arg1, %mul3A_198 : i32
    %dma_wait3A_200 = arith.constant 1 : i32
    %dma_wait3A_201 = arith.constant 0 : i32
    %dma_wait3A_202 = arith.constant 0 : i32
    %dma_wait3A_203 = tpu.memref_slice %arg7[%dma_wait3A_200, %dma_wait3A_201, %dma_wait3A_202] : memref<2x125x128xf32, #tpu.memory_space<vmem>> -> memref<1x80x128xf32, #tpu.memory_space<vmem>>
    %dma_wait3A_204 = tpu.memref_squeeze %dma_wait3A_203 : memref<1x80x128xf32, #tpu.memory_space<vmem>> -> memref<80x128xf32, #tpu.memory_space<vmem>>
    %dma_wait3A_205 = arith.constant 0 : i32
    %dma_wait3A_206 = tpu.memref_slice %arg8[%mul3A_199, %dma_wait3A_205] : memref<10240x128xf32, #tpu.memory_space<vmem_shared>> -> memref<80x128xf32, #tpu.memory_space<vmem_shared>>
    %dma_wait3A_207 = arith.constant 0 : i32
    %dma_wait3A_208 = tpu.memref_slice %arg8[%mul3A_199, %dma_wait3A_207] : memref<10240x128xf32, #tpu.memory_space<vmem_shared>> -> memref<80x128xf32, #tpu.memory_space<vmem_shared>>
    %dma_wait3A_209 = arith.constant 0 : i32
    %dma_wait3A_210 = arith.constant 0 : i32
    %dma_wait3A_211 = tpu.memref_slice %arg7[%dma_wait3A_200, %dma_wait3A_209, %dma_wait3A_210] : memref<2x125x128xf32, #tpu.memory_space<vmem>> -> memref<1x80x128xf32, #tpu.memory_space<vmem>>
    %dma_wait3A_212 = tpu.memref_squeeze %dma_wait3A_211 : memref<1x80x128xf32, #tpu.memory_space<vmem>> -> memref<80x128xf32, #tpu.memory_space<vmem>>
    tpu.wait_dma2 semaphore(%arg10 : memref<!tpu.dma_semaphore, #tpu.memory_space<semaphore_mem>>) src(%dma_wait3A_212 : memref<80x128xf32, #tpu.memory_space<vmem>>) dst(%dma_wait3A_208 : memref<80x128xf32, #tpu.memory_space<vmem_shared>>)
    %mul3A_213 = arith.constant 640 : i32
    %mul3A_214 = arith.muli %arg1, %mul3A_213 : i32
    %dma_wait3A_215 = arith.constant 1 : i32
    %dma_wait3A_216 = arith.constant 0 : i32
    %dma_wait3A_217 = arith.constant 0 : i32
    %dma_wait3A_218 = tpu.memref_slice %arg7[%dma_wait3A_215, %dma_wait3A_216, %dma_wait3A_217] : memref<2x125x128xf32, #tpu.memory_space<vmem>> -> memref<1x80x128xf32, #tpu.memory_space<vmem>>
    %dma_wait3A_219 = tpu.memref_squeeze %dma_wait3A_218 : memref<1x80x128xf32, #tpu.memory_space<vmem>> -> memref<80x128xf32, #tpu.memory_space<vmem>>
    %dma_wait3A_220 = arith.constant 0 : i32
    %dma_wait3A_221 = tpu.memref_slice %arg8[%mul3A_214, %dma_wait3A_220] : memref<10240x128xf32, #tpu.memory_space<vmem_shared>> -> memref<80x128xf32, #tpu.memory_space<vmem_shared>>
    %dma_wait3A_222 = arith.constant 0 : i32
    %dma_wait3A_223 = tpu.memref_slice %arg8[%mul3A_214, %dma_wait3A_222] : memref<10240x128xf32, #tpu.memory_space<vmem_shared>> -> memref<80x128xf32, #tpu.memory_space<vmem_shared>>
    %dma_wait3A_224 = arith.constant 0 : i32
    %dma_wait3A_225 = arith.constant 0 : i32
    %dma_wait3A_226 = tpu.memref_slice %arg7[%dma_wait3A_215, %dma_wait3A_224, %dma_wait3A_225] : memref<2x125x128xf32, #tpu.memory_space<vmem>> -> memref<1x80x128xf32, #tpu.memory_space<vmem>>
    %dma_wait3A_227 = tpu.memref_squeeze %dma_wait3A_226 : memref<1x80x128xf32, #tpu.memory_space<vmem>> -> memref<80x128xf32, #tpu.memory_space<vmem>>
    tpu.wait_dma2 semaphore(%arg10 : memref<!tpu.dma_semaphore, #tpu.memory_space<semaphore_mem>>) src(%dma_wait3A_227 : memref<80x128xf32, #tpu.memory_space<vmem>>) dst(%dma_wait3A_223 : memref<80x128xf32, #tpu.memory_space<vmem_shared>>)
    %mul3A_228 = arith.constant 640 : i32
    %mul3A_229 = arith.muli %arg1, %mul3A_228 : i32
    %dma_wait3A_230 = arith.constant 1 : i32
    %dma_wait3A_231 = arith.constant 0 : i32
    %dma_wait3A_232 = arith.constant 0 : i32
    %dma_wait3A_233 = tpu.memref_slice %arg7[%dma_wait3A_230, %dma_wait3A_231, %dma_wait3A_232] : memref<2x125x128xf32, #tpu.memory_space<vmem>> -> memref<1x80x128xf32, #tpu.memory_space<vmem>>
    %dma_wait3A_234 = tpu.memref_squeeze %dma_wait3A_233 : memref<1x80x128xf32, #tpu.memory_space<vmem>> -> memref<80x128xf32, #tpu.memory_space<vmem>>
    %dma_wait3A_235 = arith.constant 0 : i32
    %dma_wait3A_236 = tpu.memref_slice %arg8[%mul3A_229, %dma_wait3A_235] : memref<10240x128xf32, #tpu.memory_space<vmem_shared>> -> memref<80x128xf32, #tpu.memory_space<vmem_shared>>
    %dma_wait3A_237 = arith.constant 0 : i32
    %dma_wait3A_238 = tpu.memref_slice %arg8[%mul3A_229, %dma_wait3A_237] : memref<10240x128xf32, #tpu.memory_space<vmem_shared>> -> memref<80x128xf32, #tpu.memory_space<vmem_shared>>
    %dma_wait3A_239 = arith.constant 0 : i32
    %dma_wait3A_240 = arith.constant 0 : i32
    %dma_wait3A_241 = tpu.memref_slice %arg7[%dma_wait3A_230, %dma_wait3A_239, %dma_wait3A_240] : memref<2x125x128xf32, #tpu.memory_space<vmem>> -> memref<1x80x128xf32, #tpu.memory_space<vmem>>
    %dma_wait3A_242 = tpu.memref_squeeze %dma_wait3A_241 : memref<1x80x128xf32, #tpu.memory_space<vmem>> -> memref<80x128xf32, #tpu.memory_space<vmem>>
    tpu.wait_dma2 semaphore(%arg10 : memref<!tpu.dma_semaphore, #tpu.memory_space<semaphore_mem>>) src(%dma_wait3A_242 : memref<80x128xf32, #tpu.memory_space<vmem>>) dst(%dma_wait3A_238 : memref<80x128xf32, #tpu.memory_space<vmem_shared>>)
    %mul3A_243 = arith.constant 640 : i32
    %mul3A_244 = arith.muli %arg1, %mul3A_243 : i32
    %dma_wait3A_245 = arith.constant 1 : i32
    %dma_wait3A_246 = arith.constant 0 : i32
    %dma_wait3A_247 = arith.constant 0 : i32
    %dma_wait3A_248 = tpu.memref_slice %arg7[%dma_wait3A_245, %dma_wait3A_246, %dma_wait3A_247] : memref<2x125x128xf32, #tpu.memory_space<vmem>> -> memref<1x80x128xf32, #tpu.memory_space<vmem>>
    %dma_wait3A_249 = tpu.memref_squeeze %dma_wait3A_248 : memref<1x80x128xf32, #tpu.memory_space<vmem>> -> memref<80x128xf32, #tpu.memory_space<vmem>>
    %dma_wait3A_250 = arith.constant 0 : i32
    %dma_wait3A_251 = tpu.memref_slice %arg8[%mul3A_244, %dma_wait3A_250] : memref<10240x128xf32, #tpu.memory_space<vmem_shared>> -> memref<80x128xf32, #tpu.memory_space<vmem_shared>>
    %dma_wait3A_252 = arith.constant 0 : i32
    %dma_wait3A_253 = tpu.memref_slice %arg8[%mul3A_244, %dma_wait3A_252] : memref<10240x128xf32, #tpu.memory_space<vmem_shared>> -> memref<80x128xf32, #tpu.memory_space<vmem_shared>>
    %dma_wait3A_254 = arith.constant 0 : i32
    %dma_wait3A_255 = arith.constant 0 : i32
    %dma_wait3A_256 = tpu.memref_slice %arg7[%dma_wait3A_245, %dma_wait3A_254, %dma_wait3A_255] : memref<2x125x128xf32, #tpu.memory_space<vmem>> -> memref<1x80x128xf32, #tpu.memory_space<vmem>>
    %dma_wait3A_257 = tpu.memref_squeeze %dma_wait3A_256 : memref<1x80x128xf32, #tpu.memory_space<vmem>> -> memref<80x128xf32, #tpu.memory_space<vmem>>
    tpu.wait_dma2 semaphore(%arg10 : memref<!tpu.dma_semaphore, #tpu.memory_space<semaphore_mem>>) src(%dma_wait3A_257 : memref<80x128xf32, #tpu.memory_space<vmem>>) dst(%dma_wait3A_253 : memref<80x128xf32, #tpu.memory_space<vmem_shared>>)
    %mul3A_258 = arith.constant 640 : i32
    %mul3A_259 = arith.muli %arg1, %mul3A_258 : i32
    %dma_wait3A_260 = arith.constant 1 : i32
    %dma_wait3A_261 = arith.constant 0 : i32
    %dma_wait3A_262 = arith.constant 0 : i32
    %dma_wait3A_263 = tpu.memref_slice %arg7[%dma_wait3A_260, %dma_wait3A_261, %dma_wait3A_262] : memref<2x125x128xf32, #tpu.memory_space<vmem>> -> memref<1x80x128xf32, #tpu.memory_space<vmem>>
    %dma_wait3A_264 = tpu.memref_squeeze %dma_wait3A_263 : memref<1x80x128xf32, #tpu.memory_space<vmem>> -> memref<80x128xf32, #tpu.memory_space<vmem>>
    %dma_wait3A_265 = arith.constant 0 : i32
    %dma_wait3A_266 = tpu.memref_slice %arg8[%mul3A_259, %dma_wait3A_265] : memref<10240x128xf32, #tpu.memory_space<vmem_shared>> -> memref<80x128xf32, #tpu.memory_space<vmem_shared>>
    %dma_wait3A_267 = arith.constant 0 : i32
    %dma_wait3A_268 = tpu.memref_slice %arg8[%mul3A_259, %dma_wait3A_267] : memref<10240x128xf32, #tpu.memory_space<vmem_shared>> -> memref<80x128xf32, #tpu.memory_space<vmem_shared>>
    %dma_wait3A_269 = arith.constant 0 : i32
    %dma_wait3A_270 = arith.constant 0 : i32
    %dma_wait3A_271 = tpu.memref_slice %arg7[%dma_wait3A_260, %dma_wait3A_269, %dma_wait3A_270] : memref<2x125x128xf32, #tpu.memory_space<vmem>> -> memref<1x80x128xf32, #tpu.memory_space<vmem>>
    %dma_wait3A_272 = tpu.memref_squeeze %dma_wait3A_271 : memref<1x80x128xf32, #tpu.memory_space<vmem>> -> memref<80x128xf32, #tpu.memory_space<vmem>>
    tpu.wait_dma2 semaphore(%arg10 : memref<!tpu.dma_semaphore, #tpu.memory_space<semaphore_mem>>) src(%dma_wait3A_272 : memref<80x128xf32, #tpu.memory_space<vmem>>) dst(%dma_wait3A_268 : memref<80x128xf32, #tpu.memory_space<vmem_shared>>)
    %barrier3A = arith.constant 0 : index
    tpu.barrier barrier_id(%barrier3A)
    %dma_start3A_273 = arith.constant 1 : i32
    %dma_start3A_274 = arith.constant 1 : i32
    %dma_start3A_275 = arith.constant 0 : i32
    %dma_start3A_276 = arith.constant 0 : i32
    %dma_start3A_277 = tpu.memref_slice %arg7[%dma_start3A_274, %dma_start3A_275, %dma_start3A_276] : memref<2x125x128xf32, #tpu.memory_space<vmem>> -> memref<1x125x128xf32, #tpu.memory_space<vmem>>
    %dma_start3A_278 = tpu.memref_squeeze %dma_start3A_277 : memref<1x125x128xf32, #tpu.memory_space<vmem>> -> memref<125x128xf32, #tpu.memory_space<vmem>>
    %dma_start3A_279 = arith.constant 0 : i32
    %dma_start3A_280 = tpu.memref_slice %arg5[%dma_start3A_273, %dma_start3A_279] : memref<40x125xi32, #tpu.memory_space<vmem>> -> memref<1x125xi32, #tpu.memory_space<vmem>>
    %dma_start3A_281 = tpu.memref_squeeze %dma_start3A_280 : memref<1x125xi32, #tpu.memory_space<vmem>> -> memref<125xi32, #tpu.memory_space<vmem>>
    %dma_start3A_282 = arith.constant 0 : i32
    %dma_start3A_283 = arith.constant 0 : i32
    %dma_start3A_284 = tpu.memref_slice %arg2[%dma_start3A_282, %dma_start3A_283] : memref<10000x128xf32, #tpu.memory_space<hbm>> -> memref<10000x128xf32, #tpu.memory_space<hbm>>
    tpu.enqueue_indirect_dma source(%dma_start3A_284 : memref<10000x128xf32, #tpu.memory_space<hbm>>) target(%dma_start3A_278 : memref<125x128xf32, #tpu.memory_space<vmem>>) offsets(%dma_start3A_281 : memref<125xi32, #tpu.memory_space<vmem>>) semaphore(%arg9 : memref<!tpu.dma_semaphore, #tpu.memory_space<semaphore_mem>>)
    %dma_wait3A_285 = arith.constant 0 : i32
    %dma_wait3A_286 = arith.constant 0 : i32
    %dma_wait3A_287 = arith.constant 0 : i32
    %dma_wait3A_288 = arith.constant 0 : i32
    %dma_wait3A_289 = tpu.memref_slice %arg7[%dma_wait3A_286, %dma_wait3A_287, %dma_wait3A_288] : memref<2x125x128xf32, #tpu.memory_space<vmem>> -> memref<1x125x128xf32, #tpu.memory_space<vmem>>
    %dma_wait3A_290 = tpu.memref_squeeze %dma_wait3A_289 : memref<1x125x128xf32, #tpu.memory_space<vmem>> -> memref<125x128xf32, #tpu.memory_space<vmem>>
    %dma_wait3A_291 = arith.constant 0 : i32
    %dma_wait3A_292 = tpu.memref_slice %arg5[%dma_wait3A_285, %dma_wait3A_291] : memref<40x125xi32, #tpu.memory_space<vmem>> -> memref<1x125xi32, #tpu.memory_space<vmem>>
    %dma_wait3A_293 = tpu.memref_squeeze %dma_wait3A_292 : memref<1x125xi32, #tpu.memory_space<vmem>> -> memref<125xi32, #tpu.memory_space<vmem>>
    %dma_wait3A_294 = arith.constant 0 : i32
    %dma_wait3A_295 = arith.constant 0 : i32
    %dma_wait3A_296 = tpu.memref_slice %arg2[%dma_wait3A_294, %dma_wait3A_295] : memref<10000x128xf32, #tpu.memory_space<hbm>> -> memref<10000x128xf32, #tpu.memory_space<hbm>>
    tpu.wait_indirect_dma semaphore(%arg9 : memref<!tpu.dma_semaphore, #tpu.memory_space<semaphore_mem>>) src(%dma_wait3A_296 : memref<10000x128xf32, #tpu.memory_space<hbm>>) dst(%dma_wait3A_290 : memref<125x128xf32, #tpu.memory_space<vmem>>)
    %dma_start3A_297 = arith.constant 0 : i32
    %dma_start3A_298 = arith.constant 0 : i32
    %dma_start3A_299 = arith.constant 0 : i32
    %dma_start3A_300 = arith.constant 0 : i32
    %dma_start3A_301 = tpu.memref_slice %arg7[%dma_start3A_297, %dma_start3A_299, %dma_start3A_300] : memref<2x125x128xf32, #tpu.memory_space<vmem>> -> memref<1x125x128xf32, #tpu.memory_space<vmem>>
    %dma_start3A_302 = tpu.memref_squeeze %dma_start3A_301 : memref<1x125x128xf32, #tpu.memory_space<vmem>> -> memref<125x128xf32, #tpu.memory_space<vmem>>
    %dma_start3A_303 = arith.constant 0 : i32
    %dma_start3A_304 = tpu.memref_slice %arg6[%dma_start3A_298, %dma_start3A_303] : memref<40x125xi32, #tpu.memory_space<vmem>> -> memref<1x125xi32, #tpu.memory_space<vmem>>
    %dma_start3A_305 = tpu.memref_squeeze %dma_start3A_304 : memref<1x125xi32, #tpu.memory_space<vmem>> -> memref<125xi32, #tpu.memory_space<vmem>>
    %dma_start3A_306 = arith.constant 0 : i32
    %dma_start3A_307 = arith.constant 0 : i32
    %dma_start3A_308 = tpu.memref_slice %arg8[%dma_start3A_306, %dma_start3A_307] : memref<10240x128xf32, #tpu.memory_space<vmem_shared>> -> memref<10240x128xf32, #tpu.memory_space<vmem_shared>>
    tpu.enqueue_indirect_dma source(%dma_start3A_302 : memref<125x128xf32, #tpu.memory_space<vmem>>) target(%dma_start3A_308 : memref<10240x128xf32, #tpu.memory_space<vmem_shared>>) offsets(%dma_start3A_305 : memref<125xi32, #tpu.memory_space<vmem>>) semaphore(%arg10 : memref<!tpu.dma_semaphore, #tpu.memory_space<semaphore_mem>>) {add = true}
    %scan3A_309 = arith.constant 0 : i32
    %scan3A_310 = arith.constant 1 : i32
    %scan3A_311 = arith.constant 38 : i32
    %scan3A_312 = arith.addi %scan3A_310, %scan3A_311 : i32
    %scan3A_313 = arith.constant 1 : i32
    scf.for %scan3A_612 = %scan3A_310 to %scan3A_312 step %scan3A_313  : i32 {
      %rem3A = arith.constant 2 : i32
      %rem3A_613 = arith.remsi %scan3A_612, %rem3A : i32
      %dma_wait3A_614 = arith.constant 0 : i32
      %dma_wait3A_615 = arith.constant 0 : i32
      %dma_wait3A_616 = tpu.memref_slice %arg7[%rem3A_613, %dma_wait3A_614, %dma_wait3A_615] : memref<2x125x128xf32, #tpu.memory_space<vmem>> -> memref<1x125x128xf32, #tpu.memory_space<vmem>>
      %dma_wait3A_617 = tpu.memref_squeeze %dma_wait3A_616 : memref<1x125x128xf32, #tpu.memory_space<vmem>> -> memref<125x128xf32, #tpu.memory_space<vmem>>
      %dma_wait3A_618 = arith.constant 0 : i32
      %dma_wait3A_619 = tpu.memref_slice %arg5[%scan3A_612, %dma_wait3A_618] : memref<40x125xi32, #tpu.memory_space<vmem>> -> memref<1x125xi32, #tpu.memory_space<vmem>>
      %dma_wait3A_620 = tpu.memref_squeeze %dma_wait3A_619 : memref<1x125xi32, #tpu.memory_space<vmem>> -> memref<125xi32, #tpu.memory_space<vmem>>
      %dma_wait3A_621 = arith.constant 0 : i32
      %dma_wait3A_622 = arith.constant 0 : i32
      %dma_wait3A_623 = tpu.memref_slice %arg2[%dma_wait3A_621, %dma_wait3A_622] : memref<10000x128xf32, #tpu.memory_space<hbm>> -> memref<10000x128xf32, #tpu.memory_space<hbm>>
      tpu.wait_indirect_dma semaphore(%arg9 : memref<!tpu.dma_semaphore, #tpu.memory_space<semaphore_mem>>) src(%dma_wait3A_623 : memref<10000x128xf32, #tpu.memory_space<hbm>>) dst(%dma_wait3A_617 : memref<125x128xf32, #tpu.memory_space<vmem>>)
      %sub3A = arith.constant 1 : i32
      %sub3A_624 = arith.subi %sub3A, %rem3A_613 : i32
      %sub3A_625 = arith.constant 1 : i32
      %sub3A_626 = arith.subi %scan3A_612, %sub3A_625 : i32
      %dma_wait3A_627 = arith.constant 0 : i32
      %dma_wait3A_628 = arith.constant 0 : i32
      %dma_wait3A_629 = tpu.memref_slice %arg7[%sub3A_624, %dma_wait3A_627, %dma_wait3A_628] : memref<2x125x128xf32, #tpu.memory_space<vmem>> -> memref<1x125x128xf32, #tpu.memory_space<vmem>>
      %dma_wait3A_630 = tpu.memref_squeeze %dma_wait3A_629 : memref<1x125x128xf32, #tpu.memory_space<vmem>> -> memref<125x128xf32, #tpu.memory_space<vmem>>
      %dma_wait3A_631 = arith.constant 0 : i32
      %dma_wait3A_632 = tpu.memref_slice %arg6[%sub3A_626, %dma_wait3A_631] : memref<40x125xi32, #tpu.memory_space<vmem>> -> memref<1x125xi32, #tpu.memory_space<vmem>>
      %dma_wait3A_633 = tpu.memref_squeeze %dma_wait3A_632 : memref<1x125xi32, #tpu.memory_space<vmem>> -> memref<125xi32, #tpu.memory_space<vmem>>
      %dma_wait3A_634 = arith.constant 0 : i32
      %dma_wait3A_635 = arith.constant 0 : i32
      %dma_wait3A_636 = tpu.memref_slice %arg8[%dma_wait3A_634, %dma_wait3A_635] : memref<10240x128xf32, #tpu.memory_space<vmem_shared>> -> memref<10240x128xf32, #tpu.memory_space<vmem_shared>>
      tpu.wait_indirect_dma semaphore(%arg10 : memref<!tpu.dma_semaphore, #tpu.memory_space<semaphore_mem>>) src(%dma_wait3A_630 : memref<125x128xf32, #tpu.memory_space<vmem>>) dst(%dma_wait3A_636 : memref<10240x128xf32, #tpu.memory_space<vmem_shared>>)
      %add3A_637 = arith.constant 1 : i32
      %add3A_638 = arith.addi %scan3A_612, %add3A_637 : i32
      %sub3A_639 = arith.constant 1 : i32
      %sub3A_640 = arith.subi %sub3A_639, %rem3A_613 : i32
      %dma_start3A_641 = arith.constant 0 : i32
      %dma_start3A_642 = arith.constant 0 : i32
      %dma_start3A_643 = tpu.memref_slice %arg7[%sub3A_640, %dma_start3A_641, %dma_start3A_642] : memref<2x125x128xf32, #tpu.memory_space<vmem>> -> memref<1x125x128xf32, #tpu.memory_space<vmem>>
      %dma_start3A_644 = tpu.memref_squeeze %dma_start3A_643 : memref<1x125x128xf32, #tpu.memory_space<vmem>> -> memref<125x128xf32, #tpu.memory_space<vmem>>
      %dma_start3A_645 = arith.constant 0 : i32
      %dma_start3A_646 = tpu.memref_slice %arg5[%add3A_638, %dma_start3A_645] : memref<40x125xi32, #tpu.memory_space<vmem>> -> memref<1x125xi32, #tpu.memory_space<vmem>>
      %dma_start3A_647 = tpu.memref_squeeze %dma_start3A_646 : memref<1x125xi32, #tpu.memory_space<vmem>> -> memref<125xi32, #tpu.memory_space<vmem>>
      %dma_start3A_648 = arith.constant 0 : i32
      %dma_start3A_649 = arith.constant 0 : i32
      %dma_start3A_650 = tpu.memref_slice %arg2[%dma_start3A_648, %dma_start3A_649] : memref<10000x128xf32, #tpu.memory_space<hbm>> -> memref<10000x128xf32, #tpu.memory_space<hbm>>
      tpu.enqueue_indirect_dma source(%dma_start3A_650 : memref<10000x128xf32, #tpu.memory_space<hbm>>) target(%dma_start3A_644 : memref<125x128xf32, #tpu.memory_space<vmem>>) offsets(%dma_start3A_647 : memref<125xi32, #tpu.memory_space<vmem>>) semaphore(%arg9 : memref<!tpu.dma_semaphore, #tpu.memory_space<semaphore_mem>>)
      %dma_start3A_651 = arith.constant 0 : i32
      %dma_start3A_652 = arith.constant 0 : i32
      %dma_start3A_653 = tpu.memref_slice %arg7[%rem3A_613, %dma_start3A_651, %dma_start3A_652] : memref<2x125x128xf32, #tpu.memory_space<vmem>> -> memref<1x125x128xf32, #tpu.memory_space<vmem>>
      %dma_start3A_654 = tpu.memref_squeeze %dma_start3A_653 : memref<1x125x128xf32, #tpu.memory_space<vmem>> -> memref<125x128xf32, #tpu.memory_space<vmem>>
      %dma_start3A_655 = arith.constant 0 : i32
      %dma_start3A_656 = tpu.memref_slice %arg6[%scan3A_612, %dma_start3A_655] : memref<40x125xi32, #tpu.memory_space<vmem>> -> memref<1x125xi32, #tpu.memory_space<vmem>>
      %dma_start3A_657 = tpu.memref_squeeze %dma_start3A_656 : memref<1x125xi32, #tpu.memory_space<vmem>> -> memref<125xi32, #tpu.memory_space<vmem>>
      %dma_start3A_658 = arith.constant 0 : i32
      %dma_start3A_659 = arith.constant 0 : i32
      %dma_start3A_660 = tpu.memref_slice %arg8[%dma_start3A_658, %dma_start3A_659] : memref<10240x128xf32, #tpu.memory_space<vmem_shared>> -> memref<10240x128xf32, #tpu.memory_space<vmem_shared>>
      tpu.enqueue_indirect_dma source(%dma_start3A_654 : memref<125x128xf32, #tpu.memory_space<vmem>>) target(%dma_start3A_660 : memref<10240x128xf32, #tpu.memory_space<vmem_shared>>) offsets(%dma_start3A_657 : memref<125xi32, #tpu.memory_space<vmem>>) semaphore(%arg10 : memref<!tpu.dma_semaphore, #tpu.memory_space<semaphore_mem>>) {add = true}
    }
    %scan3A_314 = arith.constant 38 : i32
    %dma_wait3A_315 = arith.constant 39 : i32
    %dma_wait3A_316 = arith.constant 1 : i32
    %dma_wait3A_317 = arith.constant 0 : i32
    %dma_wait3A_318 = arith.constant 0 : i32
    %dma_wait3A_319 = tpu.memref_slice %arg7[%dma_wait3A_316, %dma_wait3A_317, %dma_wait3A_318] : memref<2x125x128xf32, #tpu.memory_space<vmem>> -> memref<1x125x128xf32, #tpu.memory_space<vmem>>
    %dma_wait3A_320 = tpu.memref_squeeze %dma_wait3A_319 : memref<1x125x128xf32, #tpu.memory_space<vmem>> -> memref<125x128xf32, #tpu.memory_space<vmem>>
    %dma_wait3A_321 = arith.constant 0 : i32
    %dma_wait3A_322 = tpu.memref_slice %arg5[%dma_wait3A_315, %dma_wait3A_321] : memref<40x125xi32, #tpu.memory_space<vmem>> -> memref<1x125xi32, #tpu.memory_space<vmem>>
    %dma_wait3A_323 = tpu.memref_squeeze %dma_wait3A_322 : memref<1x125xi32, #tpu.memory_space<vmem>> -> memref<125xi32, #tpu.memory_space<vmem>>
    %dma_wait3A_324 = arith.constant 0 : i32
    %dma_wait3A_325 = arith.constant 0 : i32
    %dma_wait3A_326 = tpu.memref_slice %arg2[%dma_wait3A_324, %dma_wait3A_325] : memref<10000x128xf32, #tpu.memory_space<hbm>> -> memref<10000x128xf32, #tpu.memory_space<hbm>>
    tpu.wait_indirect_dma semaphore(%arg9 : memref<!tpu.dma_semaphore, #tpu.memory_space<semaphore_mem>>) src(%dma_wait3A_326 : memref<10000x128xf32, #tpu.memory_space<hbm>>) dst(%dma_wait3A_320 : memref<125x128xf32, #tpu.memory_space<vmem>>)
    %dma_wait3A_327 = arith.constant 0 : i32
    %dma_wait3A_328 = arith.constant 38 : i32
    %dma_wait3A_329 = arith.constant 0 : i32
    %dma_wait3A_330 = arith.constant 0 : i32
    %dma_wait3A_331 = tpu.memref_slice %arg7[%dma_wait3A_327, %dma_wait3A_329, %dma_wait3A_330] : memref<2x125x128xf32, #tpu.memory_space<vmem>> -> memref<1x125x128xf32, #tpu.memory_space<vmem>>
    %dma_wait3A_332 = tpu.memref_squeeze %dma_wait3A_331 : memref<1x125x128xf32, #tpu.memory_space<vmem>> -> memref<125x128xf32, #tpu.memory_space<vmem>>
    %dma_wait3A_333 = arith.constant 0 : i32
    %dma_wait3A_334 = tpu.memref_slice %arg6[%dma_wait3A_328, %dma_wait3A_333] : memref<40x125xi32, #tpu.memory_space<vmem>> -> memref<1x125xi32, #tpu.memory_space<vmem>>
    %dma_wait3A_335 = tpu.memref_squeeze %dma_wait3A_334 : memref<1x125xi32, #tpu.memory_space<vmem>> -> memref<125xi32, #tpu.memory_space<vmem>>
    %dma_wait3A_336 = arith.constant 0 : i32
    %dma_wait3A_337 = arith.constant 0 : i32
    %dma_wait3A_338 = tpu.memref_slice %arg8[%dma_wait3A_336, %dma_wait3A_337] : memref<10240x128xf32, #tpu.memory_space<vmem_shared>> -> memref<10240x128xf32, #tpu.memory_space<vmem_shared>>
    tpu.wait_indirect_dma semaphore(%arg10 : memref<!tpu.dma_semaphore, #tpu.memory_space<semaphore_mem>>) src(%dma_wait3A_332 : memref<125x128xf32, #tpu.memory_space<vmem>>) dst(%dma_wait3A_338 : memref<10240x128xf32, #tpu.memory_space<vmem_shared>>)
    %dma_start3A_339 = arith.constant 1 : i32
    %dma_start3A_340 = arith.constant 39 : i32
    %dma_start3A_341 = arith.constant 0 : i32
    %dma_start3A_342 = arith.constant 0 : i32
    %dma_start3A_343 = tpu.memref_slice %arg7[%dma_start3A_339, %dma_start3A_341, %dma_start3A_342] : memref<2x125x128xf32, #tpu.memory_space<vmem>> -> memref<1x125x128xf32, #tpu.memory_space<vmem>>
    %dma_start3A_344 = tpu.memref_squeeze %dma_start3A_343 : memref<1x125x128xf32, #tpu.memory_space<vmem>> -> memref<125x128xf32, #tpu.memory_space<vmem>>
    %dma_start3A_345 = arith.constant 0 : i32
    %dma_start3A_346 = tpu.memref_slice %arg6[%dma_start3A_340, %dma_start3A_345] : memref<40x125xi32, #tpu.memory_space<vmem>> -> memref<1x125xi32, #tpu.memory_space<vmem>>
    %dma_start3A_347 = tpu.memref_squeeze %dma_start3A_346 : memref<1x125xi32, #tpu.memory_space<vmem>> -> memref<125xi32, #tpu.memory_space<vmem>>
    %dma_start3A_348 = arith.constant 0 : i32
    %dma_start3A_349 = arith.constant 0 : i32
    %dma_start3A_350 = tpu.memref_slice %arg8[%dma_start3A_348, %dma_start3A_349] : memref<10240x128xf32, #tpu.memory_space<vmem_shared>> -> memref<10240x128xf32, #tpu.memory_space<vmem_shared>>
    tpu.enqueue_indirect_dma source(%dma_start3A_344 : memref<125x128xf32, #tpu.memory_space<vmem>>) target(%dma_start3A_350 : memref<10240x128xf32, #tpu.memory_space<vmem_shared>>) offsets(%dma_start3A_347 : memref<125xi32, #tpu.memory_space<vmem>>) semaphore(%arg10 : memref<!tpu.dma_semaphore, #tpu.memory_space<semaphore_mem>>) {add = true}
    %dma_wait3A_351 = arith.constant 1 : i32
    %dma_wait3A_352 = arith.constant 39 : i32
    %dma_wait3A_353 = arith.constant 0 : i32
    %dma_wait3A_354 = arith.constant 0 : i32
    %dma_wait3A_355 = tpu.memref_slice %arg7[%dma_wait3A_351, %dma_wait3A_353, %dma_wait3A_354] : memref<2x125x128xf32, #tpu.memory_space<vmem>> -> memref<1x125x128xf32, #tpu.memory_space<vmem>>
    %dma_wait3A_356 = tpu.memref_squeeze %dma_wait3A_355 : memref<1x125x128xf32, #tpu.memory_space<vmem>> -> memref<125x128xf32, #tpu.memory_space<vmem>>
    %dma_wait3A_357 = arith.constant 0 : i32
    %dma_wait3A_358 = tpu.memref_slice %arg6[%dma_wait3A_352, %dma_wait3A_357] : memref<40x125xi32, #tpu.memory_space<vmem>> -> memref<1x125xi32, #tpu.memory_space<vmem>>
    %dma_wait3A_359 = tpu.memref_squeeze %dma_wait3A_358 : memref<1x125xi32, #tpu.memory_space<vmem>> -> memref<125xi32, #tpu.memory_space<vmem>>
    %dma_wait3A_360 = arith.constant 0 : i32
    %dma_wait3A_361 = arith.constant 0 : i32
    %dma_wait3A_362 = tpu.memref_slice %arg8[%dma_wait3A_360, %dma_wait3A_361] : memref<10240x128xf32, #tpu.memory_space<vmem_shared>> -> memref<10240x128xf32, #tpu.memory_space<vmem_shared>>
    tpu.wait_indirect_dma semaphore(%arg10 : memref<!tpu.dma_semaphore, #tpu.memory_space<semaphore_mem>>) src(%dma_wait3A_356 : memref<125x128xf32, #tpu.memory_space<vmem>>) dst(%dma_wait3A_362 : memref<10240x128xf32, #tpu.memory_space<vmem_shared>>)
    %run_scoped3A_363 = arith.constant 0 : i32
    "tpu.region"() ({
      %run_scoped3A_612 = tpu.sem_alloc : memref<!tpu.dma_semaphore, #tpu.memory_space<semaphore_mem>>
      %dma_start3A_613 = arith.constant 40 : i32
      %dma_start3A_614 = arith.constant 0 : i32
      %dma_start3A_615 = tpu.memref_slice %arg3[%run_scoped3A_363, %add3A, %dma_start3A_613, %dma_start3A_614] : memref<2x32x80x125xi32, #tpu.memory_space<hbm>> -> memref<1x1x40x125xi32, #tpu.memory_space<hbm>>
      %dma_start3A_616 = tpu.memref_squeeze %dma_start3A_615 : memref<1x1x40x125xi32, #tpu.memory_space<hbm>> -> memref<40x125xi32, #tpu.memory_space<hbm>>
      %dma_start3A_617 = arith.constant 40 : i32
      %dma_start3A_618 = arith.constant 0 : i32
      %dma_start3A_619 = tpu.memref_slice %arg3[%run_scoped3A_363, %add3A, %dma_start3A_617, %dma_start3A_618] : memref<2x32x80x125xi32, #tpu.memory_space<hbm>> -> memref<1x1x40x125xi32, #tpu.memory_space<hbm>>
      %dma_start3A_620 = tpu.memref_squeeze %dma_start3A_619 : memref<1x1x40x125xi32, #tpu.memory_space<hbm>> -> memref<40x125xi32, #tpu.memory_space<hbm>>
      tpu.enqueue_dma source(%dma_start3A_620 : memref<40x125xi32, #tpu.memory_space<hbm>>) target(%arg5 : memref<40x125xi32, #tpu.memory_space<vmem>>) target_semaphore(%run_scoped3A_612 : memref<!tpu.dma_semaphore, #tpu.memory_space<semaphore_mem>>)
      %dma_wait3A_621 = arith.constant 40 : i32
      %dma_wait3A_622 = arith.constant 0 : i32
      %dma_wait3A_623 = tpu.memref_slice %arg3[%run_scoped3A_363, %add3A, %dma_wait3A_621, %dma_wait3A_622] : memref<2x32x80x125xi32, #tpu.memory_space<hbm>> -> memref<1x1x40x125xi32, #tpu.memory_space<hbm>>
      %dma_wait3A_624 = tpu.memref_squeeze %dma_wait3A_623 : memref<1x1x40x125xi32, #tpu.memory_space<hbm>> -> memref<40x125xi32, #tpu.memory_space<hbm>>
      %dma_wait3A_625 = arith.constant 40 : i32
      %dma_wait3A_626 = arith.constant 0 : i32
      %dma_wait3A_627 = tpu.memref_slice %arg3[%run_scoped3A_363, %add3A, %dma_wait3A_625, %dma_wait3A_626] : memref<2x32x80x125xi32, #tpu.memory_space<hbm>> -> memref<1x1x40x125xi32, #tpu.memory_space<hbm>>
      %dma_wait3A_628 = tpu.memref_squeeze %dma_wait3A_627 : memref<1x1x40x125xi32, #tpu.memory_space<hbm>> -> memref<40x125xi32, #tpu.memory_space<hbm>>
      tpu.wait_dma2 semaphore(%run_scoped3A_612 : memref<!tpu.dma_semaphore, #tpu.memory_space<semaphore_mem>>) src(%dma_wait3A_628 : memref<40x125xi32, #tpu.memory_space<hbm>>) dst(%arg5 : memref<40x125xi32, #tpu.memory_space<vmem>>)
      tpu.yield
    }) : () -> ()
    %run_scoped3A_364 = arith.constant 1 : i32
    "tpu.region"() ({
      %run_scoped3A_612 = tpu.sem_alloc : memref<!tpu.dma_semaphore, #tpu.memory_space<semaphore_mem>>
      %dma_start3A_613 = arith.constant 40 : i32
      %dma_start3A_614 = arith.constant 0 : i32
      %dma_start3A_615 = tpu.memref_slice %arg3[%run_scoped3A_364, %add3A, %dma_start3A_613, %dma_start3A_614] : memref<2x32x80x125xi32, #tpu.memory_space<hbm>> -> memref<1x1x40x125xi32, #tpu.memory_space<hbm>>
      %dma_start3A_616 = tpu.memref_squeeze %dma_start3A_615 : memref<1x1x40x125xi32, #tpu.memory_space<hbm>> -> memref<40x125xi32, #tpu.memory_space<hbm>>
      %dma_start3A_617 = arith.constant 40 : i32
      %dma_start3A_618 = arith.constant 0 : i32
      %dma_start3A_619 = tpu.memref_slice %arg3[%run_scoped3A_364, %add3A, %dma_start3A_617, %dma_start3A_618] : memref<2x32x80x125xi32, #tpu.memory_space<hbm>> -> memref<1x1x40x125xi32, #tpu.memory_space<hbm>>
      %dma_start3A_620 = tpu.memref_squeeze %dma_start3A_619 : memref<1x1x40x125xi32, #tpu.memory_space<hbm>> -> memref<40x125xi32, #tpu.memory_space<hbm>>
      tpu.enqueue_dma source(%dma_start3A_620 : memref<40x125xi32, #tpu.memory_space<hbm>>) target(%arg6 : memref<40x125xi32, #tpu.memory_space<vmem>>) target_semaphore(%run_scoped3A_612 : memref<!tpu.dma_semaphore, #tpu.memory_space<semaphore_mem>>)
      %dma_wait3A_621 = arith.constant 40 : i32
      %dma_wait3A_622 = arith.constant 0 : i32
      %dma_wait3A_623 = tpu.memref_slice %arg3[%run_scoped3A_364, %add3A, %dma_wait3A_621, %dma_wait3A_622] : memref<2x32x80x125xi32, #tpu.memory_space<hbm>> -> memref<1x1x40x125xi32, #tpu.memory_space<hbm>>
      %dma_wait3A_624 = tpu.memref_squeeze %dma_wait3A_623 : memref<1x1x40x125xi32, #tpu.memory_space<hbm>> -> memref<40x125xi32, #tpu.memory_space<hbm>>
      %dma_wait3A_625 = arith.constant 40 : i32
      %dma_wait3A_626 = arith.constant 0 : i32
      %dma_wait3A_627 = tpu.memref_slice %arg3[%run_scoped3A_364, %add3A, %dma_wait3A_625, %dma_wait3A_626] : memref<2x32x80x125xi32, #tpu.memory_space<hbm>> -> memref<1x1x40x125xi32, #tpu.memory_space<hbm>>
      %dma_wait3A_628 = tpu.memref_squeeze %dma_wait3A_627 : memref<1x1x40x125xi32, #tpu.memory_space<hbm>> -> memref<40x125xi32, #tpu.memory_space<hbm>>
      tpu.wait_dma2 semaphore(%run_scoped3A_612 : memref<!tpu.dma_semaphore, #tpu.memory_space<semaphore_mem>>) src(%dma_wait3A_628 : memref<40x125xi32, #tpu.memory_space<hbm>>) dst(%arg6 : memref<40x125xi32, #tpu.memory_space<vmem>>)
      tpu.yield
    }) : () -> ()
    %dma_start3A_365 = arith.constant 0 : i32
    %dma_start3A_366 = arith.constant 0 : i32
    %dma_start3A_367 = arith.constant 0 : i32
    %dma_start3A_368 = arith.constant 0 : i32
    %dma_start3A_369 = tpu.memref_slice %arg7[%dma_start3A_366, %dma_start3A_367, %dma_start3A_368] : memref<2x125x128xf32, #tpu.memory_space<vmem>> -> memref<1x125x128xf32, #tpu.memory_space<vmem>>
    %dma_start3A_370 = tpu.memref_squeeze %dma_start3A_369 : memref<1x125x128xf32, #tpu.memory_space<vmem>> -> memref<125x128xf32, #tpu.memory_space<vmem>>
    %dma_start3A_371 = arith.constant 0 : i32
    %dma_start3A_372 = tpu.memref_slice %arg5[%dma_start3A_365, %dma_start3A_371] : memref<40x125xi32, #tpu.memory_space<vmem>> -> memref<1x125xi32, #tpu.memory_space<vmem>>
    %dma_start3A_373 = tpu.memref_squeeze %dma_start3A_372 : memref<1x125xi32, #tpu.memory_space<vmem>> -> memref<125xi32, #tpu.memory_space<vmem>>
    %dma_start3A_374 = arith.constant 0 : i32
    %dma_start3A_375 = arith.constant 0 : i32
    %dma_start3A_376 = tpu.memref_slice %arg2[%dma_start3A_374, %dma_start3A_375] : memref<10000x128xf32, #tpu.memory_space<hbm>> -> memref<10000x128xf32, #tpu.memory_space<hbm>>
    tpu.enqueue_indirect_dma source(%dma_start3A_376 : memref<10000x128xf32, #tpu.memory_space<hbm>>) target(%dma_start3A_370 : memref<125x128xf32, #tpu.memory_space<vmem>>) offsets(%dma_start3A_373 : memref<125xi32, #tpu.memory_space<vmem>>) semaphore(%arg9 : memref<!tpu.dma_semaphore, #tpu.memory_space<semaphore_mem>>)
    %dma_start3A_377 = arith.constant 1 : i32
    %dma_start3A_378 = arith.constant 1 : i32
    %dma_start3A_379 = arith.constant 0 : i32
    %dma_start3A_380 = arith.constant 0 : i32
    %dma_start3A_381 = tpu.memref_slice %arg7[%dma_start3A_378, %dma_start3A_379, %dma_start3A_380] : memref<2x125x128xf32, #tpu.memory_space<vmem>> -> memref<1x125x128xf32, #tpu.memory_space<vmem>>
    %dma_start3A_382 = tpu.memref_squeeze %dma_start3A_381 : memref<1x125x128xf32, #tpu.memory_space<vmem>> -> memref<125x128xf32, #tpu.memory_space<vmem>>
    %dma_start3A_383 = arith.constant 0 : i32
    %dma_start3A_384 = tpu.memref_slice %arg5[%dma_start3A_377, %dma_start3A_383] : memref<40x125xi32, #tpu.memory_space<vmem>> -> memref<1x125xi32, #tpu.memory_space<vmem>>
    %dma_start3A_385 = tpu.memref_squeeze %dma_start3A_384 : memref<1x125xi32, #tpu.memory_space<vmem>> -> memref<125xi32, #tpu.memory_space<vmem>>
    %dma_start3A_386 = arith.constant 0 : i32
    %dma_start3A_387 = arith.constant 0 : i32
    %dma_start3A_388 = tpu.memref_slice %arg2[%dma_start3A_386, %dma_start3A_387] : memref<10000x128xf32, #tpu.memory_space<hbm>> -> memref<10000x128xf32, #tpu.memory_space<hbm>>
    tpu.enqueue_indirect_dma source(%dma_start3A_388 : memref<10000x128xf32, #tpu.memory_space<hbm>>) target(%dma_start3A_382 : memref<125x128xf32, #tpu.memory_space<vmem>>) offsets(%dma_start3A_385 : memref<125xi32, #tpu.memory_space<vmem>>) semaphore(%arg9 : memref<!tpu.dma_semaphore, #tpu.memory_space<semaphore_mem>>)
    %dma_wait3A_389 = arith.constant 0 : i32
    %dma_wait3A_390 = arith.constant 0 : i32
    %dma_wait3A_391 = arith.constant 0 : i32
    %dma_wait3A_392 = arith.constant 0 : i32
    %dma_wait3A_393 = tpu.memref_slice %arg7[%dma_wait3A_390, %dma_wait3A_391, %dma_wait3A_392] : memref<2x125x128xf32, #tpu.memory_space<vmem>> -> memref<1x125x128xf32, #tpu.memory_space<vmem>>
    %dma_wait3A_394 = tpu.memref_squeeze %dma_wait3A_393 : memref<1x125x128xf32, #tpu.memory_space<vmem>> -> memref<125x128xf32, #tpu.memory_space<vmem>>
    %dma_wait3A_395 = arith.constant 0 : i32
    %dma_wait3A_396 = tpu.memref_slice %arg5[%dma_wait3A_389, %dma_wait3A_395] : memref<40x125xi32, #tpu.memory_space<vmem>> -> memref<1x125xi32, #tpu.memory_space<vmem>>
    %dma_wait3A_397 = tpu.memref_squeeze %dma_wait3A_396 : memref<1x125xi32, #tpu.memory_space<vmem>> -> memref<125xi32, #tpu.memory_space<vmem>>
    %dma_wait3A_398 = arith.constant 0 : i32
    %dma_wait3A_399 = arith.constant 0 : i32
    %dma_wait3A_400 = tpu.memref_slice %arg2[%dma_wait3A_398, %dma_wait3A_399] : memref<10000x128xf32, #tpu.memory_space<hbm>> -> memref<10000x128xf32, #tpu.memory_space<hbm>>
    tpu.wait_indirect_dma semaphore(%arg9 : memref<!tpu.dma_semaphore, #tpu.memory_space<semaphore_mem>>) src(%dma_wait3A_400 : memref<10000x128xf32, #tpu.memory_space<hbm>>) dst(%dma_wait3A_394 : memref<125x128xf32, #tpu.memory_space<vmem>>)
    %dma_start3A_401 = arith.constant 0 : i32
    %dma_start3A_402 = arith.constant 0 : i32
    %dma_start3A_403 = arith.constant 0 : i32
    %dma_start3A_404 = arith.constant 0 : i32
    %dma_start3A_405 = tpu.memref_slice %arg7[%dma_start3A_401, %dma_start3A_403, %dma_start3A_404] : memref<2x125x128xf32, #tpu.memory_space<vmem>> -> memref<1x125x128xf32, #tpu.memory_space<vmem>>
    %dma_start3A_406 = tpu.memref_squeeze %dma_start3A_405 : memref<1x125x128xf32, #tpu.memory_space<vmem>> -> memref<125x128xf32, #tpu.memory_space<vmem>>
    %dma_start3A_407 = arith.constant 0 : i32
    %dma_start3A_408 = tpu.memref_slice %arg6[%dma_start3A_402, %dma_start3A_407] : memref<40x125xi32, #tpu.memory_space<vmem>> -> memref<1x125xi32, #tpu.memory_space<vmem>>
    %dma_start3A_409 = tpu.memref_squeeze %dma_start3A_408 : memref<1x125xi32, #tpu.memory_space<vmem>> -> memref<125xi32, #tpu.memory_space<vmem>>
    %dma_start3A_410 = arith.constant 0 : i32
    %dma_start3A_411 = arith.constant 0 : i32
    %dma_start3A_412 = tpu.memref_slice %arg8[%dma_start3A_410, %dma_start3A_411] : memref<10240x128xf32, #tpu.memory_space<vmem_shared>> -> memref<10240x128xf32, #tpu.memory_space<vmem_shared>>
    tpu.enqueue_indirect_dma source(%dma_start3A_406 : memref<125x128xf32, #tpu.memory_space<vmem>>) target(%dma_start3A_412 : memref<10240x128xf32, #tpu.memory_space<vmem_shared>>) offsets(%dma_start3A_409 : memref<125xi32, #tpu.memory_space<vmem>>) semaphore(%arg10 : memref<!tpu.dma_semaphore, #tpu.memory_space<semaphore_mem>>) {add = true}
    %scan3A_413 = arith.constant 0 : i32
    %scan3A_414 = arith.constant 1 : i32
    %scan3A_415 = arith.constant 38 : i32
    %scan3A_416 = arith.addi %scan3A_414, %scan3A_415 : i32
    %scan3A_417 = arith.constant 1 : i32
    scf.for %scan3A_612 = %scan3A_414 to %scan3A_416 step %scan3A_417  : i32 {
      %rem3A = arith.constant 2 : i32
      %rem3A_613 = arith.remsi %scan3A_612, %rem3A : i32
      %dma_wait3A_614 = arith.constant 0 : i32
      %dma_wait3A_615 = arith.constant 0 : i32
      %dma_wait3A_616 = tpu.memref_slice %arg7[%rem3A_613, %dma_wait3A_614, %dma_wait3A_615] : memref<2x125x128xf32, #tpu.memory_space<vmem>> -> memref<1x125x128xf32, #tpu.memory_space<vmem>>
      %dma_wait3A_617 = tpu.memref_squeeze %dma_wait3A_616 : memref<1x125x128xf32, #tpu.memory_space<vmem>> -> memref<125x128xf32, #tpu.memory_space<vmem>>
      %dma_wait3A_618 = arith.constant 0 : i32
      %dma_wait3A_619 = tpu.memref_slice %arg5[%scan3A_612, %dma_wait3A_618] : memref<40x125xi32, #tpu.memory_space<vmem>> -> memref<1x125xi32, #tpu.memory_space<vmem>>
      %dma_wait3A_620 = tpu.memref_squeeze %dma_wait3A_619 : memref<1x125xi32, #tpu.memory_space<vmem>> -> memref<125xi32, #tpu.memory_space<vmem>>
      %dma_wait3A_621 = arith.constant 0 : i32
      %dma_wait3A_622 = arith.constant 0 : i32
      %dma_wait3A_623 = tpu.memref_slice %arg2[%dma_wait3A_621, %dma_wait3A_622] : memref<10000x128xf32, #tpu.memory_space<hbm>> -> memref<10000x128xf32, #tpu.memory_space<hbm>>
      tpu.wait_indirect_dma semaphore(%arg9 : memref<!tpu.dma_semaphore, #tpu.memory_space<semaphore_mem>>) src(%dma_wait3A_623 : memref<10000x128xf32, #tpu.memory_space<hbm>>) dst(%dma_wait3A_617 : memref<125x128xf32, #tpu.memory_space<vmem>>)
      %sub3A = arith.constant 1 : i32
      %sub3A_624 = arith.subi %sub3A, %rem3A_613 : i32
      %sub3A_625 = arith.constant 1 : i32
      %sub3A_626 = arith.subi %scan3A_612, %sub3A_625 : i32
      %dma_wait3A_627 = arith.constant 0 : i32
      %dma_wait3A_628 = arith.constant 0 : i32
      %dma_wait3A_629 = tpu.memref_slice %arg7[%sub3A_624, %dma_wait3A_627, %dma_wait3A_628] : memref<2x125x128xf32, #tpu.memory_space<vmem>> -> memref<1x125x128xf32, #tpu.memory_space<vmem>>
      %dma_wait3A_630 = tpu.memref_squeeze %dma_wait3A_629 : memref<1x125x128xf32, #tpu.memory_space<vmem>> -> memref<125x128xf32, #tpu.memory_space<vmem>>
      %dma_wait3A_631 = arith.constant 0 : i32
      %dma_wait3A_632 = tpu.memref_slice %arg6[%sub3A_626, %dma_wait3A_631] : memref<40x125xi32, #tpu.memory_space<vmem>> -> memref<1x125xi32, #tpu.memory_space<vmem>>
      %dma_wait3A_633 = tpu.memref_squeeze %dma_wait3A_632 : memref<1x125xi32, #tpu.memory_space<vmem>> -> memref<125xi32, #tpu.memory_space<vmem>>
      %dma_wait3A_634 = arith.constant 0 : i32
      %dma_wait3A_635 = arith.constant 0 : i32
      %dma_wait3A_636 = tpu.memref_slice %arg8[%dma_wait3A_634, %dma_wait3A_635] : memref<10240x128xf32, #tpu.memory_space<vmem_shared>> -> memref<10240x128xf32, #tpu.memory_space<vmem_shared>>
      tpu.wait_indirect_dma semaphore(%arg10 : memref<!tpu.dma_semaphore, #tpu.memory_space<semaphore_mem>>) src(%dma_wait3A_630 : memref<125x128xf32, #tpu.memory_space<vmem>>) dst(%dma_wait3A_636 : memref<10240x128xf32, #tpu.memory_space<vmem_shared>>)
      %add3A_637 = arith.constant 1 : i32
      %add3A_638 = arith.addi %scan3A_612, %add3A_637 : i32
      %sub3A_639 = arith.constant 1 : i32
      %sub3A_640 = arith.subi %sub3A_639, %rem3A_613 : i32
      %dma_start3A_641 = arith.constant 0 : i32
      %dma_start3A_642 = arith.constant 0 : i32
      %dma_start3A_643 = tpu.memref_slice %arg7[%sub3A_640, %dma_start3A_641, %dma_start3A_642] : memref<2x125x128xf32, #tpu.memory_space<vmem>> -> memref<1x125x128xf32, #tpu.memory_space<vmem>>
      %dma_start3A_644 = tpu.memref_squeeze %dma_start3A_643 : memref<1x125x128xf32, #tpu.memory_space<vmem>> -> memref<125x128xf32, #tpu.memory_space<vmem>>
      %dma_start3A_645 = arith.constant 0 : i32
      %dma_start3A_646 = tpu.memref_slice %arg5[%add3A_638, %dma_start3A_645] : memref<40x125xi32, #tpu.memory_space<vmem>> -> memref<1x125xi32, #tpu.memory_space<vmem>>
      %dma_start3A_647 = tpu.memref_squeeze %dma_start3A_646 : memref<1x125xi32, #tpu.memory_space<vmem>> -> memref<125xi32, #tpu.memory_space<vmem>>
      %dma_start3A_648 = arith.constant 0 : i32
      %dma_start3A_649 = arith.constant 0 : i32
      %dma_start3A_650 = tpu.memref_slice %arg2[%dma_start3A_648, %dma_start3A_649] : memref<10000x128xf32, #tpu.memory_space<hbm>> -> memref<10000x128xf32, #tpu.memory_space<hbm>>
      tpu.enqueue_indirect_dma source(%dma_start3A_650 : memref<10000x128xf32, #tpu.memory_space<hbm>>) target(%dma_start3A_644 : memref<125x128xf32, #tpu.memory_space<vmem>>) offsets(%dma_start3A_647 : memref<125xi32, #tpu.memory_space<vmem>>) semaphore(%arg9 : memref<!tpu.dma_semaphore, #tpu.memory_space<semaphore_mem>>)
      %dma_start3A_651 = arith.constant 0 : i32
      %dma_start3A_652 = arith.constant 0 : i32
      %dma_start3A_653 = tpu.memref_slice %arg7[%rem3A_613, %dma_start3A_651, %dma_start3A_652] : memref<2x125x128xf32, #tpu.memory_space<vmem>> -> memref<1x125x128xf32, #tpu.memory_space<vmem>>
      %dma_start3A_654 = tpu.memref_squeeze %dma_start3A_653 : memref<1x125x128xf32, #tpu.memory_space<vmem>> -> memref<125x128xf32, #tpu.memory_space<vmem>>
      %dma_start3A_655 = arith.constant 0 : i32
      %dma_start3A_656 = tpu.memref_slice %arg6[%scan3A_612, %dma_start3A_655] : memref<40x125xi32, #tpu.memory_space<vmem>> -> memref<1x125xi32, #tpu.memory_space<vmem>>
      %dma_start3A_657 = tpu.memref_squeeze %dma_start3A_656 : memref<1x125xi32, #tpu.memory_space<vmem>> -> memref<125xi32, #tpu.memory_space<vmem>>
      %dma_start3A_658 = arith.constant 0 : i32
      %dma_start3A_659 = arith.constant 0 : i32
      %dma_start3A_660 = tpu.memref_slice %arg8[%dma_start3A_658, %dma_start3A_659] : memref<10240x128xf32, #tpu.memory_space<vmem_shared>> -> memref<10240x128xf32, #tpu.memory_space<vmem_shared>>
      tpu.enqueue_indirect_dma source(%dma_start3A_654 : memref<125x128xf32, #tpu.memory_space<vmem>>) target(%dma_start3A_660 : memref<10240x128xf32, #tpu.memory_space<vmem_shared>>) offsets(%dma_start3A_657 : memref<125xi32, #tpu.memory_space<vmem>>) semaphore(%arg10 : memref<!tpu.dma_semaphore, #tpu.memory_space<semaphore_mem>>) {add = true}
    }
    %scan3A_418 = arith.constant 38 : i32
    %dma_wait3A_419 = arith.constant 39 : i32
    %dma_wait3A_420 = arith.constant 1 : i32
    %dma_wait3A_421 = arith.constant 0 : i32
    %dma_wait3A_422 = arith.constant 0 : i32
    %dma_wait3A_423 = tpu.memref_slice %arg7[%dma_wait3A_420, %dma_wait3A_421, %dma_wait3A_422] : memref<2x125x128xf32, #tpu.memory_space<vmem>> -> memref<1x125x128xf32, #tpu.memory_space<vmem>>
    %dma_wait3A_424 = tpu.memref_squeeze %dma_wait3A_423 : memref<1x125x128xf32, #tpu.memory_space<vmem>> -> memref<125x128xf32, #tpu.memory_space<vmem>>
    %dma_wait3A_425 = arith.constant 0 : i32
    %dma_wait3A_426 = tpu.memref_slice %arg5[%dma_wait3A_419, %dma_wait3A_425] : memref<40x125xi32, #tpu.memory_space<vmem>> -> memref<1x125xi32, #tpu.memory_space<vmem>>
    %dma_wait3A_427 = tpu.memref_squeeze %dma_wait3A_426 : memref<1x125xi32, #tpu.memory_space<vmem>> -> memref<125xi32, #tpu.memory_space<vmem>>
    %dma_wait3A_428 = arith.constant 0 : i32
    %dma_wait3A_429 = arith.constant 0 : i32
    %dma_wait3A_430 = tpu.memref_slice %arg2[%dma_wait3A_428, %dma_wait3A_429] : memref<10000x128xf32, #tpu.memory_space<hbm>> -> memref<10000x128xf32, #tpu.memory_space<hbm>>
    tpu.wait_indirect_dma semaphore(%arg9 : memref<!tpu.dma_semaphore, #tpu.memory_space<semaphore_mem>>) src(%dma_wait3A_430 : memref<10000x128xf32, #tpu.memory_space<hbm>>) dst(%dma_wait3A_424 : memref<125x128xf32, #tpu.memory_space<vmem>>)
    %dma_wait3A_431 = arith.constant 0 : i32
    %dma_wait3A_432 = arith.constant 38 : i32
    %dma_wait3A_433 = arith.constant 0 : i32
    %dma_wait3A_434 = arith.constant 0 : i32
    %dma_wait3A_435 = tpu.memref_slice %arg7[%dma_wait3A_431, %dma_wait3A_433, %dma_wait3A_434] : memref<2x125x128xf32, #tpu.memory_space<vmem>> -> memref<1x125x128xf32, #tpu.memory_space<vmem>>
    %dma_wait3A_436 = tpu.memref_squeeze %dma_wait3A_435 : memref<1x125x128xf32, #tpu.memory_space<vmem>> -> memref<125x128xf32, #tpu.memory_space<vmem>>
    %dma_wait3A_437 = arith.constant 0 : i32
    %dma_wait3A_438 = tpu.memref_slice %arg6[%dma_wait3A_432, %dma_wait3A_437] : memref<40x125xi32, #tpu.memory_space<vmem>> -> memref<1x125xi32, #tpu.memory_space<vmem>>
    %dma_wait3A_439 = tpu.memref_squeeze %dma_wait3A_438 : memref<1x125xi32, #tpu.memory_space<vmem>> -> memref<125xi32, #tpu.memory_space<vmem>>
    %dma_wait3A_440 = arith.constant 0 : i32
    %dma_wait3A_441 = arith.constant 0 : i32
    %dma_wait3A_442 = tpu.memref_slice %arg8[%dma_wait3A_440, %dma_wait3A_441] : memref<10240x128xf32, #tpu.memory_space<vmem_shared>> -> memref<10240x128xf32, #tpu.memory_space<vmem_shared>>
    tpu.wait_indirect_dma semaphore(%arg10 : memref<!tpu.dma_semaphore, #tpu.memory_space<semaphore_mem>>) src(%dma_wait3A_436 : memref<125x128xf32, #tpu.memory_space<vmem>>) dst(%dma_wait3A_442 : memref<10240x128xf32, #tpu.memory_space<vmem_shared>>)
    %dma_start3A_443 = arith.constant 1 : i32
    %dma_start3A_444 = arith.constant 39 : i32
    %dma_start3A_445 = arith.constant 0 : i32
    %dma_start3A_446 = arith.constant 0 : i32
    %dma_start3A_447 = tpu.memref_slice %arg7[%dma_start3A_443, %dma_start3A_445, %dma_start3A_446] : memref<2x125x128xf32, #tpu.memory_space<vmem>> -> memref<1x125x128xf32, #tpu.memory_space<vmem>>
    %dma_start3A_448 = tpu.memref_squeeze %dma_start3A_447 : memref<1x125x128xf32, #tpu.memory_space<vmem>> -> memref<125x128xf32, #tpu.memory_space<vmem>>
    %dma_start3A_449 = arith.constant 0 : i32
    %dma_start3A_450 = tpu.memref_slice %arg6[%dma_start3A_444, %dma_start3A_449] : memref<40x125xi32, #tpu.memory_space<vmem>> -> memref<1x125xi32, #tpu.memory_space<vmem>>
    %dma_start3A_451 = tpu.memref_squeeze %dma_start3A_450 : memref<1x125xi32, #tpu.memory_space<vmem>> -> memref<125xi32, #tpu.memory_space<vmem>>
    %dma_start3A_452 = arith.constant 0 : i32
    %dma_start3A_453 = arith.constant 0 : i32
    %dma_start3A_454 = tpu.memref_slice %arg8[%dma_start3A_452, %dma_start3A_453] : memref<10240x128xf32, #tpu.memory_space<vmem_shared>> -> memref<10240x128xf32, #tpu.memory_space<vmem_shared>>
    tpu.enqueue_indirect_dma source(%dma_start3A_448 : memref<125x128xf32, #tpu.memory_space<vmem>>) target(%dma_start3A_454 : memref<10240x128xf32, #tpu.memory_space<vmem_shared>>) offsets(%dma_start3A_451 : memref<125xi32, #tpu.memory_space<vmem>>) semaphore(%arg10 : memref<!tpu.dma_semaphore, #tpu.memory_space<semaphore_mem>>) {add = true}
    %dma_wait3A_455 = arith.constant 1 : i32
    %dma_wait3A_456 = arith.constant 39 : i32
    %dma_wait3A_457 = arith.constant 0 : i32
    %dma_wait3A_458 = arith.constant 0 : i32
    %dma_wait3A_459 = tpu.memref_slice %arg7[%dma_wait3A_455, %dma_wait3A_457, %dma_wait3A_458] : memref<2x125x128xf32, #tpu.memory_space<vmem>> -> memref<1x125x128xf32, #tpu.memory_space<vmem>>
    %dma_wait3A_460 = tpu.memref_squeeze %dma_wait3A_459 : memref<1x125x128xf32, #tpu.memory_space<vmem>> -> memref<125x128xf32, #tpu.memory_space<vmem>>
    %dma_wait3A_461 = arith.constant 0 : i32
    %dma_wait3A_462 = tpu.memref_slice %arg6[%dma_wait3A_456, %dma_wait3A_461] : memref<40x125xi32, #tpu.memory_space<vmem>> -> memref<1x125xi32, #tpu.memory_space<vmem>>
    %dma_wait3A_463 = tpu.memref_squeeze %dma_wait3A_462 : memref<1x125xi32, #tpu.memory_space<vmem>> -> memref<125xi32, #tpu.memory_space<vmem>>
    %dma_wait3A_464 = arith.constant 0 : i32
    %dma_wait3A_465 = arith.constant 0 : i32
    %dma_wait3A_466 = tpu.memref_slice %arg8[%dma_wait3A_464, %dma_wait3A_465] : memref<10240x128xf32, #tpu.memory_space<vmem_shared>> -> memref<10240x128xf32, #tpu.memory_space<vmem_shared>>
    tpu.wait_indirect_dma semaphore(%arg10 : memref<!tpu.dma_semaphore, #tpu.memory_space<semaphore_mem>>) src(%dma_wait3A_460 : memref<125x128xf32, #tpu.memory_space<vmem>>) dst(%dma_wait3A_466 : memref<10240x128xf32, #tpu.memory_space<vmem_shared>>)
    %barrier3A_467 = arith.constant 0 : index
    tpu.barrier barrier_id(%barrier3A_467)
    %mul3A_468 = arith.constant 640 : i32
    %mul3A_469 = arith.muli %arg1, %mul3A_468 : i32
    %add3A_470 = arith.constant 0 : i32
    %add3A_471 = arith.addi %mul3A_469, %add3A_470 : i32
    %dma_start3A_472 = arith.constant 0 : i32
    %dma_start3A_473 = tpu.memref_slice %arg4[%arg0, %add3A_471, %dma_start3A_472] : memref<2x10240x128xf32, #tpu.memory_space<hbm>> -> memref<1x80x128xf32, #tpu.memory_space<hbm>>
    %dma_start3A_474 = tpu.memref_squeeze %dma_start3A_473 : memref<1x80x128xf32, #tpu.memory_space<hbm>> -> memref<80x128xf32, #tpu.memory_space<hbm>>
    %dma_start3A_475 = arith.constant 0 : i32
    %dma_start3A_476 = tpu.memref_slice %arg8[%add3A_471, %dma_start3A_475] : memref<10240x128xf32, #tpu.memory_space<vmem_shared>> -> memref<80x128xf32, #tpu.memory_space<vmem_shared>>
    tpu.enqueue_dma source(%dma_start3A_476 : memref<80x128xf32, #tpu.memory_space<vmem_shared>>) target(%dma_start3A_474 : memref<80x128xf32, #tpu.memory_space<hbm>>) target_semaphore(%arg9 : memref<!tpu.dma_semaphore, #tpu.memory_space<semaphore_mem>>)
    %mul3A_477 = arith.constant 640 : i32
    %mul3A_478 = arith.muli %arg1, %mul3A_477 : i32
    %add3A_479 = arith.constant 80 : i32
    %add3A_480 = arith.addi %mul3A_478, %add3A_479 : i32
    %dma_start3A_481 = arith.constant 0 : i32
    %dma_start3A_482 = tpu.memref_slice %arg4[%arg0, %add3A_480, %dma_start3A_481] : memref<2x10240x128xf32, #tpu.memory_space<hbm>> -> memref<1x80x128xf32, #tpu.memory_space<hbm>>
    %dma_start3A_483 = tpu.memref_squeeze %dma_start3A_482 : memref<1x80x128xf32, #tpu.memory_space<hbm>> -> memref<80x128xf32, #tpu.memory_space<hbm>>
    %dma_start3A_484 = arith.constant 0 : i32
    %dma_start3A_485 = tpu.memref_slice %arg8[%add3A_480, %dma_start3A_484] : memref<10240x128xf32, #tpu.memory_space<vmem_shared>> -> memref<80x128xf32, #tpu.memory_space<vmem_shared>>
    tpu.enqueue_dma source(%dma_start3A_485 : memref<80x128xf32, #tpu.memory_space<vmem_shared>>) target(%dma_start3A_483 : memref<80x128xf32, #tpu.memory_space<hbm>>) target_semaphore(%arg9 : memref<!tpu.dma_semaphore, #tpu.memory_space<semaphore_mem>>)
    %mul3A_486 = arith.constant 640 : i32
    %mul3A_487 = arith.muli %arg1, %mul3A_486 : i32
    %add3A_488 = arith.constant 160 : i32
    %add3A_489 = arith.addi %mul3A_487, %add3A_488 : i32
    %dma_start3A_490 = arith.constant 0 : i32
    %dma_start3A_491 = tpu.memref_slice %arg4[%arg0, %add3A_489, %dma_start3A_490] : memref<2x10240x128xf32, #tpu.memory_space<hbm>> -> memref<1x80x128xf32, #tpu.memory_space<hbm>>
    %dma_start3A_492 = tpu.memref_squeeze %dma_start3A_491 : memref<1x80x128xf32, #tpu.memory_space<hbm>> -> memref<80x128xf32, #tpu.memory_space<hbm>>
    %dma_start3A_493 = arith.constant 0 : i32
    %dma_start3A_494 = tpu.memref_slice %arg8[%add3A_489, %dma_start3A_493] : memref<10240x128xf32, #tpu.memory_space<vmem_shared>> -> memref<80x128xf32, #tpu.memory_space<vmem_shared>>
    tpu.enqueue_dma source(%dma_start3A_494 : memref<80x128xf32, #tpu.memory_space<vmem_shared>>) target(%dma_start3A_492 : memref<80x128xf32, #tpu.memory_space<hbm>>) target_semaphore(%arg9 : memref<!tpu.dma_semaphore, #tpu.memory_space<semaphore_mem>>)
    %mul3A_495 = arith.constant 640 : i32
    %mul3A_496 = arith.muli %arg1, %mul3A_495 : i32
    %add3A_497 = arith.constant 240 : i32
    %add3A_498 = arith.addi %mul3A_496, %add3A_497 : i32
    %dma_start3A_499 = arith.constant 0 : i32
    %dma_start3A_500 = tpu.memref_slice %arg4[%arg0, %add3A_498, %dma_start3A_499] : memref<2x10240x128xf32, #tpu.memory_space<hbm>> -> memref<1x80x128xf32, #tpu.memory_space<hbm>>
    %dma_start3A_501 = tpu.memref_squeeze %dma_start3A_500 : memref<1x80x128xf32, #tpu.memory_space<hbm>> -> memref<80x128xf32, #tpu.memory_space<hbm>>
    %dma_start3A_502 = arith.constant 0 : i32
    %dma_start3A_503 = tpu.memref_slice %arg8[%add3A_498, %dma_start3A_502] : memref<10240x128xf32, #tpu.memory_space<vmem_shared>> -> memref<80x128xf32, #tpu.memory_space<vmem_shared>>
    tpu.enqueue_dma source(%dma_start3A_503 : memref<80x128xf32, #tpu.memory_space<vmem_shared>>) target(%dma_start3A_501 : memref<80x128xf32, #tpu.memory_space<hbm>>) target_semaphore(%arg9 : memref<!tpu.dma_semaphore, #tpu.memory_space<semaphore_mem>>)
    %mul3A_504 = arith.constant 640 : i32
    %mul3A_505 = arith.muli %arg1, %mul3A_504 : i32
    %add3A_506 = arith.constant 320 : i32
    %add3A_507 = arith.addi %mul3A_505, %add3A_506 : i32
    %dma_start3A_508 = arith.constant 0 : i32
    %dma_start3A_509 = tpu.memref_slice %arg4[%arg0, %add3A_507, %dma_start3A_508] : memref<2x10240x128xf32, #tpu.memory_space<hbm>> -> memref<1x80x128xf32, #tpu.memory_space<hbm>>
    %dma_start3A_510 = tpu.memref_squeeze %dma_start3A_509 : memref<1x80x128xf32, #tpu.memory_space<hbm>> -> memref<80x128xf32, #tpu.memory_space<hbm>>
    %dma_start3A_511 = arith.constant 0 : i32
    %dma_start3A_512 = tpu.memref_slice %arg8[%add3A_507, %dma_start3A_511] : memref<10240x128xf32, #tpu.memory_space<vmem_shared>> -> memref<80x128xf32, #tpu.memory_space<vmem_shared>>
    tpu.enqueue_dma source(%dma_start3A_512 : memref<80x128xf32, #tpu.memory_space<vmem_shared>>) target(%dma_start3A_510 : memref<80x128xf32, #tpu.memory_space<hbm>>) target_semaphore(%arg9 : memref<!tpu.dma_semaphore, #tpu.memory_space<semaphore_mem>>)
    %mul3A_513 = arith.constant 640 : i32
    %mul3A_514 = arith.muli %arg1, %mul3A_513 : i32
    %add3A_515 = arith.constant 400 : i32
    %add3A_516 = arith.addi %mul3A_514, %add3A_515 : i32
    %dma_start3A_517 = arith.constant 0 : i32
    %dma_start3A_518 = tpu.memref_slice %arg4[%arg0, %add3A_516, %dma_start3A_517] : memref<2x10240x128xf32, #tpu.memory_space<hbm>> -> memref<1x80x128xf32, #tpu.memory_space<hbm>>
    %dma_start3A_519 = tpu.memref_squeeze %dma_start3A_518 : memref<1x80x128xf32, #tpu.memory_space<hbm>> -> memref<80x128xf32, #tpu.memory_space<hbm>>
    %dma_start3A_520 = arith.constant 0 : i32
    %dma_start3A_521 = tpu.memref_slice %arg8[%add3A_516, %dma_start3A_520] : memref<10240x128xf32, #tpu.memory_space<vmem_shared>> -> memref<80x128xf32, #tpu.memory_space<vmem_shared>>
    tpu.enqueue_dma source(%dma_start3A_521 : memref<80x128xf32, #tpu.memory_space<vmem_shared>>) target(%dma_start3A_519 : memref<80x128xf32, #tpu.memory_space<hbm>>) target_semaphore(%arg9 : memref<!tpu.dma_semaphore, #tpu.memory_space<semaphore_mem>>)
    %mul3A_522 = arith.constant 640 : i32
    %mul3A_523 = arith.muli %arg1, %mul3A_522 : i32
    %add3A_524 = arith.constant 480 : i32
    %add3A_525 = arith.addi %mul3A_523, %add3A_524 : i32
    %dma_start3A_526 = arith.constant 0 : i32
    %dma_start3A_527 = tpu.memref_slice %arg4[%arg0, %add3A_525, %dma_start3A_526] : memref<2x10240x128xf32, #tpu.memory_space<hbm>> -> memref<1x80x128xf32, #tpu.memory_space<hbm>>
    %dma_start3A_528 = tpu.memref_squeeze %dma_start3A_527 : memref<1x80x128xf32, #tpu.memory_space<hbm>> -> memref<80x128xf32, #tpu.memory_space<hbm>>
    %dma_start3A_529 = arith.constant 0 : i32
    %dma_start3A_530 = tpu.memref_slice %arg8[%add3A_525, %dma_start3A_529] : memref<10240x128xf32, #tpu.memory_space<vmem_shared>> -> memref<80x128xf32, #tpu.memory_space<vmem_shared>>
    tpu.enqueue_dma source(%dma_start3A_530 : memref<80x128xf32, #tpu.memory_space<vmem_shared>>) target(%dma_start3A_528 : memref<80x128xf32, #tpu.memory_space<hbm>>) target_semaphore(%arg9 : memref<!tpu.dma_semaphore, #tpu.memory_space<semaphore_mem>>)
    %mul3A_531 = arith.constant 640 : i32
    %mul3A_532 = arith.muli %arg1, %mul3A_531 : i32
    %add3A_533 = arith.constant 560 : i32
    %add3A_534 = arith.addi %mul3A_532, %add3A_533 : i32
    %dma_start3A_535 = arith.constant 0 : i32
    %dma_start3A_536 = tpu.memref_slice %arg4[%arg0, %add3A_534, %dma_start3A_535] : memref<2x10240x128xf32, #tpu.memory_space<hbm>> -> memref<1x80x128xf32, #tpu.memory_space<hbm>>
    %dma_start3A_537 = tpu.memref_squeeze %dma_start3A_536 : memref<1x80x128xf32, #tpu.memory_space<hbm>> -> memref<80x128xf32, #tpu.memory_space<hbm>>
    %dma_start3A_538 = arith.constant 0 : i32
    %dma_start3A_539 = tpu.memref_slice %arg8[%add3A_534, %dma_start3A_538] : memref<10240x128xf32, #tpu.memory_space<vmem_shared>> -> memref<80x128xf32, #tpu.memory_space<vmem_shared>>
    tpu.enqueue_dma source(%dma_start3A_539 : memref<80x128xf32, #tpu.memory_space<vmem_shared>>) target(%dma_start3A_537 : memref<80x128xf32, #tpu.memory_space<hbm>>) target_semaphore(%arg9 : memref<!tpu.dma_semaphore, #tpu.memory_space<semaphore_mem>>)
    %mul3A_540 = arith.constant 640 : i32
    %mul3A_541 = arith.muli %arg1, %mul3A_540 : i32
    %mul3A_542 = arith.constant 640 : i32
    %mul3A_543 = arith.muli %arg1, %mul3A_542 : i32
    %dma_wait3A_544 = arith.constant 0 : i32
    %dma_wait3A_545 = tpu.memref_slice %arg4[%arg0, %mul3A_543, %dma_wait3A_544] : memref<2x10240x128xf32, #tpu.memory_space<hbm>> -> memref<1x80x128xf32, #tpu.memory_space<hbm>>
    %dma_wait3A_546 = tpu.memref_squeeze %dma_wait3A_545 : memref<1x80x128xf32, #tpu.memory_space<hbm>> -> memref<80x128xf32, #tpu.memory_space<hbm>>
    %dma_wait3A_547 = arith.constant 0 : i32
    %dma_wait3A_548 = tpu.memref_slice %arg8[%mul3A_541, %dma_wait3A_547] : memref<10240x128xf32, #tpu.memory_space<vmem_shared>> -> memref<80x128xf32, #tpu.memory_space<vmem_shared>>
    tpu.wait_dma2 semaphore(%arg9 : memref<!tpu.dma_semaphore, #tpu.memory_space<semaphore_mem>>) src(%dma_wait3A_548 : memref<80x128xf32, #tpu.memory_space<vmem_shared>>) dst(%dma_wait3A_546 : memref<80x128xf32, #tpu.memory_space<hbm>>)
    %mul3A_549 = arith.constant 640 : i32
    %mul3A_550 = arith.muli %arg1, %mul3A_549 : i32
    %mul3A_551 = arith.constant 640 : i32
    %mul3A_552 = arith.muli %arg1, %mul3A_551 : i32
    %dma_wait3A_553 = arith.constant 0 : i32
    %dma_wait3A_554 = tpu.memref_slice %arg4[%arg0, %mul3A_552, %dma_wait3A_553] : memref<2x10240x128xf32, #tpu.memory_space<hbm>> -> memref<1x80x128xf32, #tpu.memory_space<hbm>>
    %dma_wait3A_555 = tpu.memref_squeeze %dma_wait3A_554 : memref<1x80x128xf32, #tpu.memory_space<hbm>> -> memref<80x128xf32, #tpu.memory_space<hbm>>
    %dma_wait3A_556 = arith.constant 0 : i32
    %dma_wait3A_557 = tpu.memref_slice %arg8[%mul3A_550, %dma_wait3A_556] : memref<10240x128xf32, #tpu.memory_space<vmem_shared>> -> memref<80x128xf32, #tpu.memory_space<vmem_shared>>
    tpu.wait_dma2 semaphore(%arg9 : memref<!tpu.dma_semaphore, #tpu.memory_space<semaphore_mem>>) src(%dma_wait3A_557 : memref<80x128xf32, #tpu.memory_space<vmem_shared>>) dst(%dma_wait3A_555 : memref<80x128xf32, #tpu.memory_space<hbm>>)
    %mul3A_558 = arith.constant 640 : i32
    %mul3A_559 = arith.muli %arg1, %mul3A_558 : i32
    %mul3A_560 = arith.constant 640 : i32
    %mul3A_561 = arith.muli %arg1, %mul3A_560 : i32
    %dma_wait3A_562 = arith.constant 0 : i32
    %dma_wait3A_563 = tpu.memref_slice %arg4[%arg0, %mul3A_561, %dma_wait3A_562] : memref<2x10240x128xf32, #tpu.memory_space<hbm>> -> memref<1x80x128xf32, #tpu.memory_space<hbm>>
    %dma_wait3A_564 = tpu.memref_squeeze %dma_wait3A_563 : memref<1x80x128xf32, #tpu.memory_space<hbm>> -> memref<80x128xf32, #tpu.memory_space<hbm>>
    %dma_wait3A_565 = arith.constant 0 : i32
    %dma_wait3A_566 = tpu.memref_slice %arg8[%mul3A_559, %dma_wait3A_565] : memref<10240x128xf32, #tpu.memory_space<vmem_shared>> -> memref<80x128xf32, #tpu.memory_space<vmem_shared>>
    tpu.wait_dma2 semaphore(%arg9 : memref<!tpu.dma_semaphore, #tpu.memory_space<semaphore_mem>>) src(%dma_wait3A_566 : memref<80x128xf32, #tpu.memory_space<vmem_shared>>) dst(%dma_wait3A_564 : memref<80x128xf32, #tpu.memory_space<hbm>>)
    %mul3A_567 = arith.constant 640 : i32
    %mul3A_568 = arith.muli %arg1, %mul3A_567 : i32
    %mul3A_569 = arith.constant 640 : i32
    %mul3A_570 = arith.muli %arg1, %mul3A_569 : i32
    %dma_wait3A_571 = arith.constant 0 : i32
    %dma_wait3A_572 = tpu.memref_slice %arg4[%arg0, %mul3A_570, %dma_wait3A_571] : memref<2x10240x128xf32, #tpu.memory_space<hbm>> -> memref<1x80x128xf32, #tpu.memory_space<hbm>>
    %dma_wait3A_573 = tpu.memref_squeeze %dma_wait3A_572 : memref<1x80x128xf32, #tpu.memory_space<hbm>> -> memref<80x128xf32, #tpu.memory_space<hbm>>
    %dma_wait3A_574 = arith.constant 0 : i32
    %dma_wait3A_575 = tpu.memref_slice %arg8[%mul3A_568, %dma_wait3A_574] : memref<10240x128xf32, #tpu.memory_space<vmem_shared>> -> memref<80x128xf32, #tpu.memory_space<vmem_shared>>
    tpu.wait_dma2 semaphore(%arg9 : memref<!tpu.dma_semaphore, #tpu.memory_space<semaphore_mem>>) src(%dma_wait3A_575 : memref<80x128xf32, #tpu.memory_space<vmem_shared>>) dst(%dma_wait3A_573 : memref<80x128xf32, #tpu.memory_space<hbm>>)
    %mul3A_576 = arith.constant 640 : i32
    %mul3A_577 = arith.muli %arg1, %mul3A_576 : i32
    %mul3A_578 = arith.constant 640 : i32
    %mul3A_579 = arith.muli %arg1, %mul3A_578 : i32
    %dma_wait3A_580 = arith.constant 0 : i32
    %dma_wait3A_581 = tpu.memref_slice %arg4[%arg0, %mul3A_579, %dma_wait3A_580] : memref<2x10240x128xf32, #tpu.memory_space<hbm>> -> memref<1x80x128xf32, #tpu.memory_space<hbm>>
    %dma_wait3A_582 = tpu.memref_squeeze %dma_wait3A_581 : memref<1x80x128xf32, #tpu.memory_space<hbm>> -> memref<80x128xf32, #tpu.memory_space<hbm>>
    %dma_wait3A_583 = arith.constant 0 : i32
    %dma_wait3A_584 = tpu.memref_slice %arg8[%mul3A_577, %dma_wait3A_583] : memref<10240x128xf32, #tpu.memory_space<vmem_shared>> -> memref<80x128xf32, #tpu.memory_space<vmem_shared>>
    tpu.wait_dma2 semaphore(%arg9 : memref<!tpu.dma_semaphore, #tpu.memory_space<semaphore_mem>>) src(%dma_wait3A_584 : memref<80x128xf32, #tpu.memory_space<vmem_shared>>) dst(%dma_wait3A_582 : memref<80x128xf32, #tpu.memory_space<hbm>>)
    %mul3A_585 = arith.constant 640 : i32
    %mul3A_586 = arith.muli %arg1, %mul3A_585 : i32
    %mul3A_587 = arith.constant 640 : i32
    %mul3A_588 = arith.muli %arg1, %mul3A_587 : i32
    %dma_wait3A_589 = arith.constant 0 : i32
    %dma_wait3A_590 = tpu.memref_slice %arg4[%arg0, %mul3A_588, %dma_wait3A_589] : memref<2x10240x128xf32, #tpu.memory_space<hbm>> -> memref<1x80x128xf32, #tpu.memory_space<hbm>>
    %dma_wait3A_591 = tpu.memref_squeeze %dma_wait3A_590 : memref<1x80x128xf32, #tpu.memory_space<hbm>> -> memref<80x128xf32, #tpu.memory_space<hbm>>
    %dma_wait3A_592 = arith.constant 0 : i32
    %dma_wait3A_593 = tpu.memref_slice %arg8[%mul3A_586, %dma_wait3A_592] : memref<10240x128xf32, #tpu.memory_space<vmem_shared>> -> memref<80x128xf32, #tpu.memory_space<vmem_shared>>
    tpu.wait_dma2 semaphore(%arg9 : memref<!tpu.dma_semaphore, #tpu.memory_space<semaphore_mem>>) src(%dma_wait3A_593 : memref<80x128xf32, #tpu.memory_space<vmem_shared>>) dst(%dma_wait3A_591 : memref<80x128xf32, #tpu.memory_space<hbm>>)
    %mul3A_594 = arith.constant 640 : i32
    %mul3A_595 = arith.muli %arg1, %mul3A_594 : i32
    %mul3A_596 = arith.constant 640 : i32
    %mul3A_597 = arith.muli %arg1, %mul3A_596 : i32
    %dma_wait3A_598 = arith.constant 0 : i32
    %dma_wait3A_599 = tpu.memref_slice %arg4[%arg0, %mul3A_597, %dma_wait3A_598] : memref<2x10240x128xf32, #tpu.memory_space<hbm>> -> memref<1x80x128xf32, #tpu.memory_space<hbm>>
    %dma_wait3A_600 = tpu.memref_squeeze %dma_wait3A_599 : memref<1x80x128xf32, #tpu.memory_space<hbm>> -> memref<80x128xf32, #tpu.memory_space<hbm>>
    %dma_wait3A_601 = arith.constant 0 : i32
    %dma_wait3A_602 = tpu.memref_slice %arg8[%mul3A_595, %dma_wait3A_601] : memref<10240x128xf32, #tpu.memory_space<vmem_shared>> -> memref<80x128xf32, #tpu.memory_space<vmem_shared>>
    tpu.wait_dma2 semaphore(%arg9 : memref<!tpu.dma_semaphore, #tpu.memory_space<semaphore_mem>>) src(%dma_wait3A_602 : memref<80x128xf32, #tpu.memory_space<vmem_shared>>) dst(%dma_wait3A_600 : memref<80x128xf32, #tpu.memory_space<hbm>>)
    %mul3A_603 = arith.constant 640 : i32
    %mul3A_604 = arith.muli %arg1, %mul3A_603 : i32
    %mul3A_605 = arith.constant 640 : i32
    %mul3A_606 = arith.muli %arg1, %mul3A_605 : i32
    %dma_wait3A_607 = arith.constant 0 : i32
    %dma_wait3A_608 = tpu.memref_slice %arg4[%arg0, %mul3A_606, %dma_wait3A_607] : memref<2x10240x128xf32, #tpu.memory_space<hbm>> -> memref<1x80x128xf32, #tpu.memory_space<hbm>>
    %dma_wait3A_609 = tpu.memref_squeeze %dma_wait3A_608 : memref<1x80x128xf32, #tpu.memory_space<hbm>> -> memref<80x128xf32, #tpu.memory_space<hbm>>
    %dma_wait3A_610 = arith.constant 0 : i32
    %dma_wait3A_611 = tpu.memref_slice %arg8[%mul3A_604, %dma_wait3A_610] : memref<10240x128xf32, #tpu.memory_space<vmem_shared>> -> memref<80x128xf32, #tpu.memory_space<vmem_shared>>
    tpu.wait_dma2 semaphore(%arg9 : memref<!tpu.dma_semaphore, #tpu.memory_space<semaphore_mem>>) src(%dma_wait3A_611 : memref<80x128xf32, #tpu.memory_space<vmem_shared>>) dst(%dma_wait3A_609 : memref<80x128xf32, #tpu.memory_space<hbm>>)
    return
  }
}

module attributes {stable_mosaic.version = 14 : i64} {
  func.func @_head_body(%arg0: i32, %arg1: memref<1x1024x128xf32, #tpu.memory_space<vmem>>, %arg2: memref<1x1024x128xf32, #tpu.memory_space<vmem>>, %arg3: memref<128x128xf32, #tpu.memory_space<vmem>>, %arg4: memref<1x128xf32, #tpu.memory_space<vmem>>, %arg5: memref<128x64xf32, #tpu.memory_space<vmem>>, %arg6: memref<1x64xf32, #tpu.memory_space<vmem>>, %arg7: memref<64x1024xf32, #tpu.memory_space<vmem>>) attributes {dimension_semantics = [#tpu.dimension_semantics<arbitrary>], iteration_bounds = array<i64: 10>, scalar_prefetch = 0 : i64, scratch_operands = 0 : i64, tpu.core_type = #tpu.core_type<tc>, window_params = [{transform_indices = @transform_0, window_bounds = array<i64: 1, 1024, 128>}, {transform_indices = @transform_1, window_bounds = array<i64: 1, 1024, 128>}, {pipeline_mode = #tpu.pipeline_mode<synchronous>, transform_indices = @transform_2, window_bounds = array<i64: 128, 128>}, {pipeline_mode = #tpu.pipeline_mode<synchronous>, transform_indices = @transform_3, window_bounds = array<i64: 1, 128>}, {pipeline_mode = #tpu.pipeline_mode<synchronous>, transform_indices = @transform_4, window_bounds = array<i64: 128, 64>}, {pipeline_mode = #tpu.pipeline_mode<synchronous>, transform_indices = @transform_5, window_bounds = array<i64: 1, 64>}, {transform_indices = @transform_6, window_bounds = array<i64: 64, 1024>}]} {
    %get3A = arith.constant 0 : index
    %get3A_0 = arith.constant 0 : index
    %get3A_1 = arith.constant 0 : index
    %get3A_2 = vector.load %arg1[%get3A, %get3A_0, %get3A_1] : memref<1x1024x128xf32, #tpu.memory_space<vmem>>, vector<1x1024x128xf32>
    %get3A_3 = vector.shape_cast %get3A_2 : vector<1x1024x128xf32> to vector<1024x128xf32>
    %get3A_4 = arith.constant 0 : index
    %get3A_5 = arith.constant 0 : index
    %get3A_6 = arith.constant 0 : index
    %get3A_7 = vector.load %arg2[%get3A_4, %get3A_5, %get3A_6] : memref<1x1024x128xf32, #tpu.memory_space<vmem>>, vector<1x1024x128xf32>
    %get3A_8 = vector.shape_cast %get3A_7 : vector<1x1024x128xf32> to vector<1024x128xf32>
    %add3A = arith.addf %get3A_3, %get3A_8 : vector<1024x128xf32>
    %get3A_9 = arith.constant 0 : index
    %get3A_10 = arith.constant 0 : index
    %get3A_11 = vector.load %arg3[%get3A_9, %get3A_10] : memref<128x128xf32, #tpu.memory_space<vmem>>, vector<128x128xf32>
    %dot_general3A = arith.constant dense<0.000000e+00> : vector<1024x128xf32>
    %dot_general3A_12 = tpu.matmul %add3A, %get3A_11, %dot_general3A {dimension_numbers = #tpu.dot_dimension_numbers<[1], [0], [0], [1], [0, 0, 1, 1], [], []>, transpose_lhs_hint = false} : vector<1024x128xf32>, vector<128x128xf32>, vector<1024x128xf32> -> vector<1024x128xf32>
    %get3A_13 = arith.constant 0 : index
    %get3A_14 = arith.constant 0 : index
    %get3A_15 = vector.load %arg4[%get3A_13, %get3A_14] : memref<1x128xf32, #tpu.memory_space<vmem>>, vector<1x128xf32>
    %add3A_16 = vector.broadcast %get3A_15 : vector<1x128xf32> to vector<1024x128xf32>
    %add3A_17 = arith.addf %dot_general3A_12, %add3A_16 : vector<1024x128xf32>
    %max3A = arith.constant 0.000000e+00 : f32
    %max3A_18 = vector.broadcast %max3A : f32 to vector<1024x128xf32>
    %max3A_19 = arith.maximumf %add3A_17, %max3A_18 : vector<1024x128xf32>
    %get3A_20 = arith.constant 0 : index
    %get3A_21 = arith.constant 0 : index
    %get3A_22 = vector.load %arg5[%get3A_20, %get3A_21] : memref<128x64xf32, #tpu.memory_space<vmem>>, vector<128x64xf32>
    %dot_general3A_23 = arith.constant dense<0.000000e+00> : vector<1024x64xf32>
    %dot_general3A_24 = tpu.matmul %max3A_19, %get3A_22, %dot_general3A_23 {dimension_numbers = #tpu.dot_dimension_numbers<[1], [0], [0], [1], [0, 0, 1, 1], [], []>, transpose_lhs_hint = false} : vector<1024x128xf32>, vector<128x64xf32>, vector<1024x64xf32> -> vector<1024x64xf32>
    %get3A_25 = arith.constant 0 : index
    %get3A_26 = arith.constant 0 : index
    %get3A_27 = vector.load %arg6[%get3A_25, %get3A_26] : memref<1x64xf32, #tpu.memory_space<vmem>>, vector<1x64xf32>
    %add3A_28 = vector.broadcast %get3A_27 : vector<1x64xf32> to vector<1024x64xf32>
    %add3A_29 = arith.addf %dot_general3A_24, %add3A_28 : vector<1024x64xf32>
    %transpose3A = tpu.transpose %add3A_29, [1, 0] : vector<1024x64xf32> -> vector<64x1024xf32>
    %swap3A = arith.constant 0 : index
    %swap3A_30 = arith.constant 0 : index
    %swap3A_31 = vector.load %arg7[%swap3A, %swap3A_30] : memref<64x1024xf32, #tpu.memory_space<vmem>>, vector<64x1024xf32>
    tpu.vector_store %arg7[%swap3A, %swap3A_30], %transpose3A {strides = array<i32>} : memref<64x1024xf32, #tpu.memory_space<vmem>>, vector<64x1024xf32>,
    return
  }
  func.func @transform_0(%arg0: i32) -> (i32, i32, i32) {
    %c0_i32 = arith.constant 0 : i32
    %c0_i32_0 = arith.constant 0 : i32
    %c0_i32_1 = arith.constant 0 : i32
    return %c0_i32, %arg0, %c0_i32_0 : i32, i32, i32
  }
  func.func @transform_1(%arg0: i32) -> (i32, i32, i32) {
    %c1_i32 = arith.constant 1 : i32
    %c0_i32 = arith.constant 0 : i32
    %c0_i32_0 = arith.constant 0 : i32
    return %c1_i32, %arg0, %c0_i32 : i32, i32, i32
  }
  func.func @transform_2(%arg0: i32) -> (i32, i32) {
    %c0_i32 = arith.constant 0 : i32
    %c0_i32_0 = arith.constant 0 : i32
    %c0_i32_1 = arith.constant 0 : i32
    return %c0_i32, %c0_i32_0 : i32, i32
  }
  func.func @transform_3(%arg0: i32) -> (i32, i32) {
    %c0_i32 = arith.constant 0 : i32
    %c0_i32_0 = arith.constant 0 : i32
    %c0_i32_1 = arith.constant 0 : i32
    return %c0_i32, %c0_i32_0 : i32, i32
  }
  func.func @transform_4(%arg0: i32) -> (i32, i32) {
    %c0_i32 = arith.constant 0 : i32
    %c0_i32_0 = arith.constant 0 : i32
    %c0_i32_1 = arith.constant 0 : i32
    return %c0_i32, %c0_i32_0 : i32, i32
  }
  func.func @transform_5(%arg0: i32) -> (i32, i32) {
    %c0_i32 = arith.constant 0 : i32
    %c0_i32_0 = arith.constant 0 : i32
    %c0_i32_1 = arith.constant 0 : i32
    return %c0_i32, %c0_i32_0 : i32, i32
  }
  func.func @transform_6(%arg0: i32) -> (i32, i32) {
    %c0_i32 = arith.constant 0 : i32
    %c0_i32_0 = arith.constant 0 : i32
    return %c0_i32, %arg0 : i32, i32
  }
}

</mosaic_0001>

<sc_bundles>
// kernel: kernel.4.cloned.1.call-start
scs
__scs_entry_jumppad:
0x0: {  	(pc) =	sbr.rel $0x88, $3  }
0x1: {  	(tag) =	ssettag $0x0;
	lr =	simm.s32 $0x1  }
0x2: {  	[smem:$0x3F9B] =	sst lr;
	_ =	strace $0xD0000000  }
0x3: {  	_ = 	snop  }
0x4: {  	_ = 	snop  }
0x5: {  	_ = 	snop  }
0x6: {  	_ = 	snop  }
0x7: {  	_ = 	snop  }
__scs_overlays_trampoline_lowered:
0x8: {  	[smem:$0x3FAA] =	sst s0  }
0x9: {  	[smem:$0x3FAB] =	sst s1  }
0xa: {  	[smem:$0x3FAC] =	sst s2  }
0xb: {  	[smem:$0x3FAD] =	sst s3  }
0xc: {  	[smem:$0x3FAE] =	sst s4  }
0xd: {  	[smem:$0x3FAF] =	sst s5  }
0xe: {  	[smem:$0x3FB0] =	sst s6  }
0xf: {  	[smem:$0x3FB1] =	sst s7  }
0x10: {  	[smem:$0x3FB2] =	sst s8  }
0x11: {  	[smem:$0x3FB3] =	sst s9;
	s0 =	simm.s32 @!p0 $0x0  }
0x12: {  	s1 =	sld [smem:$0x3F99];
	s0 =	simm.s32 @p0 $0x1  }
0x13: {  	[smem:$0x3FB4] =	sst s0;
	s0 =	simm.s32 @!p1 $0x0  }
0x14: {  	s2 =	sld [smem:$0x3F98];
	s0 =	simm.s32 @p1 $0x1  }
0x15: {  	[smem:$0x3FB5] =	sst s0;
	s0 =	simm.s32 @!p2 $0x0  }
0x16: {  	s3 =	sld [smem:$0x3FDB];
	s0 =	simm.s32 @p2 $0x1  }
0x17: {  	s4 =	simm.s32 $0x1BF5;
	[smem:$0x3FB7] =	sst s0  }
0x18: {  	s0 =	sld [smem:$0x3F9A];
	_ =	swait.ge [sflag:s4], $0x0  }
0x19: {  	s7 =	sld [smem:$0x3F9B]  }
0x1a: {  	s8 =	sadd.s32 $0xFFFFE003, lr  }
0x1b: {  	s9 =	sadd.s32 $0xFFFFFEF7, lr;
	s5 =	simm.s32 $0xFFFFFFFF;
	p2 =	slt.u32 s8, $0xFFFFF086  }
0x1c: {  	p1 =	slt.u32 s9, $0xF7A;
	s5 =	simm.s32 @!p2 $0x0  }
0x1d: {  	s5 =	simm.s32 @p1 $0x1;
	p0 =	seq.s32 s7, s2  }
0x1e: {  	s7 =	smul.u32 @!p0 $0xF7A, s2;
	p2 =	seq.s32 @!p0 s5, $0x0  }
0x1f: {  	s9 =	smul.u32 $0xF7A, s1;
	s8 =	simm.s32 @!p0 $0x1BF5;
	p2 =	por !p2, p0  }
0x20: {  	[sflag:s8] =	ssyncset.s32 @!p0 $0xFFFFF086;
	s6 =	sadd.s32 @!p0 s3, s7;
	s7 =	simm.s32 @!p0 $0x108  }
0x21: {  	s3 =	sadd.s32 s3, s9;
	s6 =	sadd.s32 @!p0 $0x88, s6;
	s7 =	simm.s32 @p2 $0x1082  }
0x22: {  	[simem:s7], [sflag:s8] =	dma.local @!p0 [hbm:s6], $0xF7A  }
0x23: {  	s9 =	sor.u32 $0xD0000000, s2;
	s6 =	simm.s32 $0x108;
	_ =	swait.ge @!p0 [sflag:s8], $0x0  }
0x24: {  	s3 =	sadd.s32 $0x88, s3;
	s6 =	simm.s32 @!p1 $0x1082;
	[sflag:s4] =	ssyncset.s32 $0xFFFFF086  }
0x25: {  	[simem:s6], [sflag:s4] =	dma.local [hbm:s3], $0xF7A  }
0x26: {  	[smem:$0x3F9B] =	sst s1;
	(tag) =	ssettag s2;
	_ =	strace s9  }
0x27: {  	s1 =	sld [smem:$0x3FAB]  }
0x28: {  	s2 =	sld [smem:$0x3FAC]  }
0x29: {  	s4 =	sld [smem:$0x3FAE]  }
0x2a: {  	p0 =	seq.s32 s5, $0x0;
	s5 =	sld [smem:$0x3FAF]  }
0x2b: {  	s6 =	sld [smem:$0x3FB0]  }
0x2c: {  	s7 =	sld [smem:$0x3FB1]  }
0x2d: {  	s3 =	simm.s32 $0x108;
	s8 =	sld [smem:$0x3FB2]  }
0x2e: {  	s3 =	simm.s32 @!p0 $0x1082;
	s9 =	sld [smem:$0x3FB3]  }
0x2f: {  	lr =	sadd.s32 s0, s3;
	s0 =	sld [smem:$0x3FAA]  }
0x30: {  	s3 =	sld [smem:$0x3FAD]  }
0x31: {  	[smem:$0x3FB6] =	sst s10  }
0x32: {  	s10 =	sld [smem:$0x3FB4];
	_ =	sdelay $0x3  }
0x33: {  	p0 =	seq.s32 s10, $0x1;
	s10 =	sld [smem:$0x3FB6];
	_ =	sdelay $0x3  }
0x34: {  	[smem:$0x3FB6] =	sst s10  }
0x35: {  	s10 =	sld [smem:$0x3FB5];
	_ =	sdelay $0x3  }
0x36: {  	p1 =	seq.s32 s10, $0x1;
	s10 =	sld [smem:$0x3FB6];
	_ =	sdelay $0x3  }
0x37: {  	[smem:$0x3FB6] =	sst s10  }
0x38: {  	s10 =	sld [smem:$0x3FB7]  }
0x39: {  	_ = 	snop;
	(pc) =	sbr.ind lr, $3  }
0x3a: {  	_ = 	snop  }
0x3b: {  	_ = 	snop  }
0x3c: {  	p2 =	seq.s32 s10, $0x1;
	s10 =	sld [smem:$0x3FB6]  }
0x3d: {  	_ =	shalt  }
0x3e: {  	_ =	shalt  }
0x3f: {  	_ =	shalt  }
0x40: {  	_ =	shalt  }
0x41: {  	_ =	shalt  }
0x42: {  	_ =	shalt  }
0x43: {  	_ =	shalt  }
0x44: {  	_ =	shalt  }
0x45: {  	_ =	shalt  }
0x46: {  	_ =	shalt  }
0x47: {  	_ =	shalt  }
0x48: {  	_ =	shalt  }
0x49: {  	_ =	shalt  }
0x4a: {  	_ =	shalt  }
0x4b: {  	_ =	shalt  }
0x4c: {  	_ =	shalt  }
0x4d: {  	_ =	shalt  }
0x4e: {  	_ =	shalt  }
0x4f: {  	_ =	shalt  }
0x50: {  	_ =	shalt  }
0x51: {  	_ =	shalt  }
0x52: {  	_ =	shalt  }
0x53: {  	_ =	shalt  }
0x54: {  	_ =	shalt  }
0x55: {  	_ =	shalt  }
0x56: {  	_ =	shalt  }
0x57: {  	_ =	shalt  }
0x58: {  	_ =	shalt  }
0x59: {  	_ =	shalt  }
0x5a: {  	_ =	shalt  }
0x5b: {  	_ =	shalt  }
0x5c: {  	_ =	shalt  }
0x5d: {  	_ =	shalt  }
0x5e: {  	_ =	shalt  }
0x5f: {  	_ =	shalt  }
0x60: {  	_ =	shalt  }
0x61: {  	_ =	shalt  }
0x62: {  	_ =	shalt  }
0x63: {  	_ =	shalt  }
0x64: {  	_ =	shalt  }
0x65: {  	_ =	shalt  }
0x66: {  	_ =	shalt  }
0x67: {  	_ =	shalt  }
0x68: {  	_ =	shalt  }
0x69: {  	_ =	shalt  }
0x6a: {  	_ =	shalt  }
0x6b: {  	_ =	shalt  }
0x6c: {  	_ =	shalt  }
0x6d: {  	_ =	shalt  }
0x6e: {  	_ =	shalt  }
0x6f: {  	_ =	shalt  }
0x70: {  	_ =	shalt  }
0x71: {  	_ =	shalt  }
0x72: {  	_ =	shalt  }
0x73: {  	_ =	shalt  }
0x74: {  	_ =	shalt  }
0x75: {  	_ =	shalt  }
0x76: {  	_ =	shalt  }
0x77: {  	_ =	shalt  }
0x78: {  	_ =	shalt  }
0x79: {  	_ =	shalt  }
0x7a: {  	_ =	shalt  }
0x7b: {  	_ =	shalt  }
0x7c: {  	_ =	shalt  }
0x7d: {  	_ =	shalt  }
0x7e: {  	_ =	shalt  }
0x7f: {  	_ =	shalt  }
0x80: {  	_ =	shalt  }
0x81: {  	_ =	shalt  }
0x82: {  	_ =	shalt  }
0x83: {  	_ =	shalt  }
0x84: {  	_ =	shalt  }
0x85: {  	_ =	shalt  }
0x86: {  	_ =	shalt  }
0x87: {  	_ =	shalt  }
.Lfunc_end0:
.L_simem_size_0:
called_computation_lowered:
.L_overlay_start_0:
0x88: {  	s2 =	sld [smem:$0x3FD9]  }
0x89: {  	s3 =	sld [smem:$0x3FFE];
	_ =	sdelay $0x1  }
0x8a: {  	s1 =	srdreg.scid  }
0x8b: {  	s0 =	sand.u32 $0x1, s1  }
0x8c: {  	s17 =	sshll.u32 s0, $0xA;
	s2 =	sadd.s32 s3, s2  }
0x8d: {  	s2 =	sadd.s32 s2, s17  }
0x8e: {  	[smem:$0x3FC2] =	sst s2  }
0x8f: {  	_ = 	snop  }
0x90: {  	s2 =	sld [smem:$0x3FC9];
	(tm) =	ssettm $0x1  }
0x91: {  	s18 =	sld [smem:$0x3FFB];
	_ =	sdelay $0x3  }
0x92: {  	_ =	strace s18  }
0x93: {  	s3 =	sld [smem:$0x3FFC];
	_ =	sdelay $0x3  }
0x94: {  	_ =	strace s3  }
0x95: {  	s3 =	sld [smem:$0x3FFD];
	_ =	sdelay $0x3  }
0x96: {  	_ =	strace s3  }
0x97: {  	_ =	strace $0x8FFFFFFF  }
0x98: {  	s19 =	sld [smem:$0x3FDB];
	_ =	sdelay $0x1  }
0x99: {  	s4 =	simm.s32 $_scs_section_size  }
0x9a: {  	s5 =	simm.s32 $_size__tile_overlayer_lowered;
	s6 =	simm.s32 $_tile_overlayer_lowered  }
0x9b: {  	s22 =	simm.s32 $0x1BFF;
	s21 =	sshll.u32 s6, $0x1;
	s3 =	sadd.s32 s4, s19  }
0x9c: {  	s7 =	simm.s32 $0x0;
	s20 =	sshll.u32 s5, $0x1;
	s5 =	sadd.s32 s21, s3  }
0x9d: {  	[timem:s7], [sflag:s22] =	dma.local [hbm:s5], s20  }
0x9e: {  	_ =	swait.ge [sflag:s22], s20  }
0x9f: {  	s4 =	ssub.s32 $0x0, s20;
	[sflag:s22] =	ssyncset.done $0x0  }
0xa0: {  	[sflag:s22] =	ssyncadd.s32 s4;
	_ =	sdelay $0x1  }
0xa1: {  	s23 =	simm.s32 $0x1B8B  }
0xa2: {  	_ =	swait.ge [sflag:s23], $0x1  }
0xa3: {  	[sflag:s23] =	ssyncset.done $0x0  }
0xa4: {  	s25 =	simm.s32 $0x1B8E;
	s24 =	sld [smem:$0x3FFE];
	[sflag:s23] =	ssyncadd.s32 $0xFFFFFFFF  }
0xa5: {  	s26 =	simm.s32 $execute0_lowered;
	[smem:$0x3FD2] =	sst s25  }
0xa6: {  	s5 =	sshll.u32 s26, $0x1;
	_ =	strace $0x80000046;
	[dreg:$0x1] =	wrdreg $0xFFFFFFFF  }
0xa7: {  	s28 =	simm.s32 $_size_execute0_lowered;
	s3 =	sadd.s32 s3, s5;
	[dreg:$0x0] =	wrdreg $0x0  }
0xa8: {  	s5 =	sshll.u32 s28, $0x1;
	[dreg:$0x2] =	wrdreg s3  }
0xa9: {  	[dreg:$0x3] =	wrdreg s5  }
0xaa: {  	[dreg:$0x4] =	wrdreg $0xC0  }
0xab: {  	_ =	task [dreg:s7], $0x5FFFF  }
0xac: {  	[dreg:$0x1] =	wrdreg $0xFFFFFFFF  }
0xad: {  	[dreg:$0x0] =	wrdreg $0x60  }
0xae: {  	[dreg:$0x2] =	wrdreg s2  }
0xaf: {  	[dreg:$0x3] =	wrdreg s24  }
0xb0: {  	[dreg:$0x4] =	wrdreg $0xA8000  }
0xb1: {  	[dreg:$0x5] =	wrdreg $0x9  }
0xb2: {  	_ =	task.clear_ibuf [dreg:s7], $0x6FFFF;
	_ =	strace $0x90000046  }
0xb3: {  	s29 =	simm.s32 $0x9;
	_ =	strace $0x80000048  }
0xb4: {  	_ =	swait.ge [sflag:s29], $0x1  }
0xb5: {  	[sflag:s29] =	ssyncadd.s32 $0xFFFFFFFF  }
0xb6: {  	_ =	strace $0x90000048  }
0xb7: {  	_ =	sfence  }
0xb8: {  	s30 =	sld [smem:$0x0];
	_ =	sdelay $0x2  }
0xb9: {  	s31 =	sshll.u32 s1, $0xD;
	s1 =	sshrl.u32 s1, $0x2  }
0xba: {  	s3 =	sand.u32 $0x4000, s31;
	s1 =	sadd.s32 s1, s30  }
0xbb: {  	s0 =	sor.u32 s3, s0;
	s1 =	sshll.u32 s1, $0x11  }
0xbc: {  	s0 =	sor.u32 s1, s0  }
0xbd: {  	s0 =	sadd.s32 $0x8F2B, s0  }
0xbe: {  	[sflag:s0] =	ssyncadd.remote.s32 $0x1  }
0xbf: {  	_ =	sfence.sel $0xFFFF  }
0xc0: {  	[dreg:$0x0] =	wrdreg $0xFFFFFFFF;
	(pc) =	sbr.abs _section_cstart, $3  }
0xc1: {  	[dreg:$0x1] =	wrdreg $0xFFFFFFFF  }
0xc2: {  	_ =	task.clear_ibuf [dreg:s7], $0x2FFFF;
	_ =	strace $0x9FFFFFFF  }
0xc3: {  	(tm) =	ssettm $0x7FFFFFFF  }
tec
execute0_lowered:
.L_overlay_start_1:
0x0: {  	(tag) =	ssettag $0x1  }
0x1: {  	s1 =	rddreg [dreg:$0x0];
	s0 =	srdreg.scid  }
0x2: {  	s9 =	stileid.u32;
	s2 =	rddreg [dreg:$0x1]  }
0x3: {  	s3 =	rddreg [dreg:$0x2];
	s28 =	simm.s32 $0x1400;
	s29 =	simm.s32 $0x7D  }
0x4: {  	s0 =	sand.u32 $0x1, s0;
	s4 =	sshll.u32 s9, $0x1;
	s7 =	smul.u32 $0x50000, s9  }
0x5: {  	s30 =	simm.s32 $0x2800;
	s14 =	smul.u32 $0x14000, s9;
	s5 =	sor.u32 s0, s4  }
0x6: {  	s4 =	simm.s32 $0x0;
	s6 =	ssub.s32 $0x2, s0;
	s0 =	smul.u32 $0x140000, s0  }
0x7: {  	s31 =	simm.s32 $0x6800;
	s5 =	smul.u32 $0x2800, s5;
	[smem:$0x7FF] =	sst s4  }
0x8: {  	s8 =	sshrl.u32 s6, $0x1;
	s7 =	sshrl.u32 s7, $0x2;
	s15 =	sor.u32 $0x2800, s14  }
0x9: {  	s16 =	sadd.s32 $0x5000, s14;
	s17 =	sadd.s32 $0x7800, s14;
	s18 =	sadd.s32 $0xA000, s14  }
0xa: {  	s19 =	sadd.s32 $0xC800, s14;
	s20 =	sadd.s32 $0xF000, s14;
	s21 =	sadd.s32 $0x11800, s14  }
0xb: {  	_ =	strace $0x80000047;
	s6 =	ssub.s32 s6, s8;
	s7 =	sadd.s32 s7, s3  }
0xc: {  	s8 =	sadd.s32 s15, s3;
	s9 =	sadd.s32 s16, s3;
	s10 =	sadd.s32 s17, s3  }
0xd: {  	s11 =	sadd.s32 s18, s3;
	s12 =	sadd.s32 s19, s3;
	s13 =	sadd.s32 s20, s3  }
0xe: {  	s22 =	sadd.s32 s14, s0;
	s15 =	sadd.s32 s0, s15;
	s16 =	sadd.s32 s0, s16  }
0xf: {  	s17 =	sadd.s32 s0, s17;
	s18 =	sadd.s32 s0, s18;
	s19 =	sadd.s32 s0, s19  }
0x10: {  	s20 =	sadd.s32 s0, s20;
	s0 =	sadd.s32 s0, s21;
	s5 =	sshrl.u32 s5, $0x3  }
0x11: {  	s14 =	sadd.s32 s21, s3;
	s26 =	sshrl.u32 s22, $0x3;
	s5 =	sadd.s32 s5, s2  }
0x12: {  	s15 =	sshrl.u32 s15, $0x3;
	s22 =	sshrl.u32 s17, $0x3;
	s24 =	sadd.s32 $0xE00, s5  }
0x13: {  	s2 =	sadd.s32 $0x14E00, s2;
	s25 =	sadd.s32 $0xAE00, s5;
	[dreg:$0x4] =	wrdreg s24  }
0x14: {  	s23 =	sshrl.u32 s18, $0x3;
	s21 =	sadd.s32 s2, s26;
	[dreg:$0x5] =	wrdreg s25  }
0x15: {  	s0 =	sshrl.u32 s0, $0x3;
	s15 =	sadd.s32 s2, s15;
	[dreg:$0x6] =	wrdreg s21  }
0x16: {  	s26 =	sshrl.u32 s20, $0x3;
	[dreg:$0x7] =	wrdreg s15;
	s21 =	sshrl.u32 s16, $0x3  }
0x17: {  	s24 =	sadd.s32 s2, s23;
	s25 =	sshrl.u32 s19, $0x3;
	s23 =	sadd.s32 $0x1080, s5  }
0x18: {  	s15 =	sadd.s32 s2, s21;
	[dreg:$0xa] =	wrdreg s24;
	s24 =	sadd.s32 $0xB080, s5  }
0x19: {  	s5 =	simm.s32 $0x1;
	[dreg:$0x8] =	wrdreg s15;
	s15 =	sadd.s32 s2, s22  }
0x1a: {  	s22 =	sadd.s32 s2, s0;
	s0 =	simm.s32 $0x80;
	[dreg:$0x9] =	wrdreg s15  }
0x1b: {  	s15 =	sadd.s32 s2, s25;
	s25 =	smax.u32 s6, $0x1;
	s6 =	simm.s32 $0x2780  }
0x1c: {  	[dreg:$0xb] =	wrdreg s15;
	s15 =	sadd.s32 s2, s26;
	s26 =	simm.s32 $0x3  }
0x1d: {  	v0 =	vimm.f32 $0.0e+00;
	s2 =	simm.s32 $0x2;
	[dreg:$0xc] =	wrdreg s15;
	s15 =	simm.s32 $0x0  }
.LBB2_1:
0x1e: {  	s16 =	rddreg [dreg:$0x4]  }
0x1f: {  	[tilespmem:s4], [sflag:$0x3] =	stream.linear.gather [hbm4b:s16+s4], $0x1400, $0x38;
	[tilespmem:$0x1E800] =	vst v63  }
0x20: {  	_ =	swait.ge [sflag:s26], $0x1400  }
0x21: {  	[sflag:s26] =	ssyncset.done $0x0  }
0x22: {  	s21 =	rddreg [dreg:$0x5];
	[sflag:s26] =	ssyncadd.s32 $0xFFFFEC00  }
0x23: {  	[tilespmem:s28], [sflag:$0x3] =	stream.linear.gather [hbm4b:s21+s4], $0x1400, $0x38;
	[tilespmem:$0x1E800] =	vst v63  }
0x24: {  	_ =	swait.ge [sflag:s26], $0x1400  }
0x25: {  	[sflag:s26] =	ssyncset.done $0x0  }
0x26: {  	s17 =	simm.s32 $0x200;
	s16 =	simm.s32 $0x0;
	[sflag:s26] =	ssyncadd.s32 $0xFFFFEC00  }
0x27: {  	[tilespmem:s30], [sflag:$0x1] =	stream.indirect.gather [hbm4b:s1+s29], $0x80, s4, s29, $0xb8;
	[tilespmem:$0x1E800] =	vst v63  }
.LBB2_2:
0x28: {  	p0 =	sne.s32 s17, $0x9E00;
	[tilespmem:s16+$0x6870] =	vst v0  }
0x29: {  	[tilespmem:s16+$0x6800] =	vst v0  }
0x2a: {  	[tilespmem:s16+$0x6810] =	vst v0  }
.Ltmp0:
0x2b: {  	[tilespmem:s16+$0x6820] =	vst v0;
	(pc) =	sbr.rel @p0 .LBB2_2-.Ltmp0, $4  }
0x2c: {  	[tilespmem:s16+$0x6830] =	vst v0  }
0x2d: {  	[tilespmem:s16+$0x6840] =	vst v0  }
0x2e: {  	[tilespmem:s16+$0x6850] =	vst v0  }
0x2f: {  	[tilespmem:s16+$0x6860] =	vst v0;
	s16 =	sshra.s32 s17, $0x2;
	s17 =	sadd.s32 $0x200, s17  }
0x30: {  	[tilespmem:s16+$0x6870] =	vst v0  }
0x31: {  	[tilespmem:s16+$0x6800] =	vst v0  }
0x32: {  	[tilespmem:s16+$0x6810] =	vst v0  }
0x33: {  	[tilespmem:s16+$0x6820] =	vst v0  }
0x34: {  	[tilespmem:s16+$0x6830] =	vst v0  }
0x35: {  	[tilespmem:s16+$0x6840] =	vst v0  }
0x36: {  	[tilespmem:s16+$0x6850] =	vst v0  }
0x37: {  	[tilespmem:s16+$0x6860] =	vst v0  }
0x38: {  	[spmem:s7] =	stream.linear.scatter [tilespmem:s31], [sflag:$0x2], $0x2800, $0x38;
	[tilespmem:$0x1E800] =	vst v63  }
0x39: {  	_ = 	snop  }
0x3a: {  	[spmem:s8] =	stream.linear.scatter [tilespmem:s31], [sflag:$0x2], $0x2800, $0x38;
	[tilespmem:$0x1E800] =	vst v63  }
0x3b: {  	_ = 	snop  }
0x3c: {  	[spmem:s9] =	stream.linear.scatter [tilespmem:s31], [sflag:$0x2], $0x2800, $0x38;
	[tilespmem:$0x1E800] =	vst v63  }
0x3d: {  	_ = 	snop  }
0x3e: {  	[spmem:s10] =	stream.linear.scatter [tilespmem:s31], [sflag:$0x2], $0x2800, $0x38;
	[tilespmem:$0x1E800] =	vst v63  }
0x3f: {  	_ = 	snop  }
0x40: {  	[spmem:s11] =	stream.linear.scatter [tilespmem:s31], [sflag:$0x2], $0x2800, $0x38;
	[tilespmem:$0x1E800] =	vst v63  }
0x41: {  	_ = 	snop  }
0x42: {  	[spmem:s12] =	stream.linear.scatter [tilespmem:s31], [sflag:$0x2], $0x2800, $0x38;
	[tilespmem:$0x1E800] =	vst v63  }
0x43: {  	_ = 	snop  }
0x44: {  	[spmem:s13] =	stream.linear.scatter [tilespmem:s31], [sflag:$0x2], $0x2800, $0x38;
	[tilespmem:$0x1E800] =	vst v63  }
0x45: {  	_ = 	snop  }
0x46: {  	[spmem:s14] =	stream.linear.scatter [tilespmem:s31], [sflag:$0x2], $0x2800, $0x38;
	[tilespmem:$0x1E800] =	vst v63  }
0x47: {  	_ =	swait.ge [sflag:s2], $0x2800  }
0x48: {  	[sflag:s2] =	ssyncset.done $0x0  }
0x49: {  	[sflag:s2] =	ssyncadd.s32 $0xFFFFD800  }
0x4a: {  	_ =	swait.ge [sflag:s2], $0x2800  }
0x4b: {  	[sflag:s2] =	ssyncset.done $0x0  }
0x4c: {  	[sflag:s2] =	ssyncadd.s32 $0xFFFFD800  }
0x4d: {  	_ =	swait.ge [sflag:s2], $0x2800  }
0x4e: {  	[sflag:s2] =	ssyncset.done $0x0  }
0x4f: {  	[sflag:s2] =	ssyncadd.s32 $0xFFFFD800  }
0x50: {  	_ =	swait.ge [sflag:s2], $0x2800  }
0x51: {  	[sflag:s2] =	ssyncset.done $0x0  }
0x52: {  	[sflag:s2] =	ssyncadd.s32 $0xFFFFD800  }
0x53: {  	_ =	swait.ge [sflag:s2], $0x2800  }
0x54: {  	[sflag:s2] =	ssyncset.done $0x0  }
0x55: {  	[sflag:s2] =	ssyncadd.s32 $0xFFFFD800  }
0x56: {  	_ =	swait.ge [sflag:s2], $0x2800  }
0x57: {  	[sflag:s2] =	ssyncset.done $0x0  }
0x58: {  	[sflag:s2] =	ssyncadd.s32 $0xFFFFD800  }
0x59: {  	_ =	swait.ge [sflag:s2], $0x2800  }
0x5a: {  	[sflag:s2] =	ssyncset.done $0x0  }
0x5b: {  	[sflag:s2] =	ssyncadd.s32 $0xFFFFD800  }
0x5c: {  	_ =	swait.ge [sflag:s2], $0x2800  }
0x5d: {  	[sflag:s2] =	ssyncset.done $0x0  }
0x5e: {  	[sflag:s2] =	ssyncadd.s32 $0xFFFFD800  }
0x5f: {  	s19 =	simm.s32 $0x1;
	[bflag:$0x0] =	sbarrier.arrive $0xFFFF  }
0x60: {  	[tilespmem:s31], [sflag:$0x1] =	stream.indirect.gather [hbm4b:s1+s29], $0x80, s0, s29, $0xb8;
	[tilespmem:$0x1E800] =	vst v63  }
0x61: {  	_ =	swait.ge [sflag:s19], $0x3E80  }
0x62: {  	[sflag:s19] =	ssyncset.done $0x0  }
0x63: {  	[sflag:s19] =	ssyncadd.s32 $0xFFFFC180  }
0x64: {  	[spmem:s3] =	stream.indirect.scatter.add.f32 [tilespmem:s30], [sflag:$0x2], $0x80, s28, s29, $0xb8;
	[tilespmem:$0x1E800] =	vst v63  }
0x65: {  	_ =	swait.ge [sflag:s5], $0x3E80  }
0x66: {  	[sflag:s5] =	ssyncset.done $0x0  }
0x67: {  	[sflag:s5] =	ssyncadd.s32 $0xFFFFC180  }
0x68: {  	s20 =	simm.s32 $0x4000;
	s21 =	simm.s32 $0x100;
	_ =	swait.ge [sflag:s2], $0x3E80  }
0x69: {  	s16 =	simm.s32 $0x1480;
	s18 =	sand.u32 $0x4000, s20;
	[sflag:s2] =	ssyncset.done $0x0  }
0x6a: {  	s17 =	sxor.u32 $0x6800, s18;
	s20 =	sor.u32 $0x2800, s18;
	[sflag:s2] =	ssyncadd.s32 $0xFFFFC180  }
0x6b: {  	[tilespmem:s17], [sflag:$0x1] =	stream.indirect.gather [hbm4b:s1+s29], $0x80, s21, s29, $0xb8;
	[tilespmem:$0x1E800] =	vst v63  }
0x6c: {  	s18 =	simm.s32 $0x1500;
	s19 =	simm.s32 $0x180;
	s17 =	simm.s32 $0x2  }
.LBB2_4:
0x6d: {  	[spmem:s3] =	stream.indirect.scatter.add.f32 [tilespmem:s20], [sflag:$0x2], $0x80, s16, s29, $0xb8;
	[tilespmem:$0x1E800] =	vst v63  }
0x6e: {  	s20 =	smov.u32 s17;
	s16 =	smov.u32 s18  }
0x6f: {  	p0 =	sne.s32 s17, $0x26;
	s17 =	sadd.s32 $0x1, s17;
	_ =	swait.ge [sflag:s5], $0x3E80  }
0x70: {  	[sflag:s5] =	ssyncset.done $0x0  }
0x71: {  	[sflag:s5] =	ssyncadd.s32 $0xFFFFC180  }
.Ltmp1:
0x72: {  	s20 =	sshll.u32 s20, $0xE;
	_ =	swait.ge [sflag:s2], $0x3E80;
	(pc) =	sbr.rel @p0 .LBB2_4-.Ltmp1, $4  }
0x73: {  	s20 =	sand.u32 $0x4000, s20;
	[sflag:s2] =	ssyncset.done $0x0  }
0x74: {  	s21 =	sxor.u32 $0x6800, s20;
	[sflag:s2] =	ssyncadd.s32 $0xFFFFC180  }
0x75: {  	[tilespmem:s21], [sflag:$0x1] =	stream.indirect.gather [hbm4b:s1+s29], $0x80, s19, s29, $0xb8;
	[tilespmem:$0x1E800] =	vst v63  }
0x76: {  	s18 =	sadd.s32 $0x80, s18;
	s20 =	sor.u32 $0x2800, s20;
	s19 =	sadd.s32 $0x80, s19  }
0x77: {  	[spmem:s3] =	stream.indirect.scatter.add.f32 [tilespmem:s20], [sflag:$0x2], $0x80, s16, s29, $0xb8;
	[tilespmem:$0x1E800] =	vst v63  }
0x78: {  	s19 =	simm.s32 $0x1  }
0x79: {  	_ =	swait.ge [sflag:s19], $0x3E80  }
0x7a: {  	[sflag:s19] =	ssyncset.done $0x0  }
0x7b: {  	[sflag:s19] =	ssyncadd.s32 $0xFFFFC180  }
0x7c: {  	_ =	swait.ge [sflag:s2], $0x3E80  }
0x7d: {  	[sflag:s2] =	ssyncset.done $0x0  }
0x7e: {  	[sflag:s2] =	ssyncadd.s32 $0xFFFFC180  }
0x7f: {  	[spmem:s3] =	stream.indirect.scatter.add.f32 [tilespmem:s31], [sflag:$0x2], $0x80, s6, s29, $0xb8;
	[tilespmem:$0x1E800] =	vst v63  }
0x80: {  	_ =	swait.ge [sflag:s2], $0x3E80  }
0x81: {  	[sflag:s2] =	ssyncset.done $0x0  }
0x82: {  	[sflag:s2] =	ssyncadd.s32 $0xFFFFC180  }
0x83: {  	[tilespmem:s4], [sflag:$0x3] =	stream.linear.gather [hbm4b:s23+s4], $0x1400, $0x38;
	[tilespmem:$0x1E800] =	vst v63  }
0x84: {  	_ =	swait.ge [sflag:s26], $0x1400  }
0x85: {  	[sflag:s26] =	ssyncset.done $0x0  }
0x86: {  	[sflag:s26] =	ssyncadd.s32 $0xFFFFEC00  }
0x87: {  	[tilespmem:s28], [sflag:$0x3] =	stream.linear.gather [hbm4b:s24+s4], $0x1400, $0x38;
	[tilespmem:$0x1E800] =	vst v63  }
0x88: {  	_ =	swait.ge [sflag:s26], $0x1400  }
0x89: {  	[sflag:s26] =	ssyncset.done $0x0  }
0x8a: {  	[sflag:s26] =	ssyncadd.s32 $0xFFFFEC00  }
0x8b: {  	[tilespmem:s30], [sflag:$0x1] =	stream.indirect.gather [hbm4b:s1+s29], $0x80, s4, s29, $0xb8;
	[tilespmem:$0x1E800] =	vst v63  }
0x8c: {  	_ = 	snop  }
0x8d: {  	[tilespmem:s31], [sflag:$0x1] =	stream.indirect.gather [hbm4b:s1+s29], $0x80, s0, s29, $0xb8;
	[tilespmem:$0x1E800] =	vst v63  }
0x8e: {  	_ =	swait.ge [sflag:s19], $0x3E80  }
0x8f: {  	[sflag:s19] =	ssyncset.done $0x0  }
0x90: {  	[sflag:s19] =	ssyncadd.s32 $0xFFFFC180  }
0x91: {  	[spmem:s3] =	stream.indirect.scatter.add.f32 [tilespmem:s30], [sflag:$0x2], $0x80, s28, s29, $0xb8;
	[tilespmem:$0x1E800] =	vst v63  }
0x92: {  	_ =	swait.ge [sflag:s5], $0x3E80  }
0x93: {  	[sflag:s5] =	ssyncset.done $0x0  }
0x94: {  	[sflag:s5] =	ssyncadd.s32 $0xFFFFC180  }
0x95: {  	s20 =	simm.s32 $0x4000;
	s21 =	simm.s32 $0x100;
	_ =	swait.ge [sflag:s2], $0x3E80  }
0x96: {  	s16 =	simm.s32 $0x1480;
	s18 =	sand.u32 $0x4000, s20;
	[sflag:s2] =	ssyncset.done $0x0  }
0x97: {  	s17 =	sxor.u32 $0x6800, s18;
	s20 =	sor.u32 $0x2800, s18;
	[sflag:s2] =	ssyncadd.s32 $0xFFFFC180  }
0x98: {  	[tilespmem:s17], [sflag:$0x1] =	stream.indirect.gather [hbm4b:s1+s29], $0x80, s21, s29, $0xb8;
	[tilespmem:$0x1E800] =	vst v63  }
0x99: {  	s18 =	simm.s32 $0x1500;
	s19 =	simm.s32 $0x180;
	s17 =	simm.s32 $0x2  }
.LBB2_6:
0x9a: {  	[spmem:s3] =	stream.indirect.scatter.add.f32 [tilespmem:s20], [sflag:$0x2], $0x80, s16, s29, $0xb8;
	[tilespmem:$0x1E800] =	vst v63  }
0x9b: {  	s20 =	smov.u32 s17;
	s16 =	smov.u32 s18  }
0x9c: {  	p0 =	sne.s32 s17, $0x26;
	s17 =	sadd.s32 $0x1, s17;
	_ =	swait.ge [sflag:s5], $0x3E80  }
0x9d: {  	[sflag:s5] =	ssyncset.done $0x0  }
0x9e: {  	[sflag:s5] =	ssyncadd.s32 $0xFFFFC180  }
.Ltmp2:
0x9f: {  	s20 =	sshll.u32 s20, $0xE;
	_ =	swait.ge [sflag:s2], $0x3E80;
	(pc) =	sbr.rel @p0 .LBB2_6-.Ltmp2, $4  }
0xa0: {  	s20 =	sand.u32 $0x4000, s20;
	[sflag:s2] =	ssyncset.done $0x0  }
0xa1: {  	s21 =	sxor.u32 $0x6800, s20;
	[sflag:s2] =	ssyncadd.s32 $0xFFFFC180  }
0xa2: {  	[tilespmem:s21], [sflag:$0x1] =	stream.indirect.gather [hbm4b:s1+s29], $0x80, s19, s29, $0xb8;
	[tilespmem:$0x1E800] =	vst v63  }
0xa3: {  	s18 =	sadd.s32 $0x80, s18;
	s20 =	sor.u32 $0x2800, s20;
	s19 =	sadd.s32 $0x80, s19  }
0xa4: {  	[spmem:s3] =	stream.indirect.scatter.add.f32 [tilespmem:s20], [sflag:$0x2], $0x80, s16, s29, $0xb8;
	[tilespmem:$0x1E800] =	vst v63  }
0xa5: {  	_ =	swait.ge [sflag:s5], $0x3E80  }
0xa6: {  	[sflag:s5] =	ssyncset.done $0x0  }
0xa7: {  	[sflag:s5] =	ssyncadd.s32 $0xFFFFC180  }
0xa8: {  	_ =	swait.ge [sflag:s2], $0x3E80  }
0xa9: {  	[sflag:s2] =	ssyncset.done $0x0  }
0xaa: {  	[sflag:s2] =	ssyncadd.s32 $0xFFFFC180  }
0xab: {  	[spmem:s3] =	stream.indirect.scatter.add.f32 [tilespmem:s31], [sflag:$0x2], $0x80, s6, s29, $0xb8;
	[tilespmem:$0x1E800] =	vst v63  }
0xac: {  	_ =	swait.ge [sflag:s2], $0x3E80  }
0xad: {  	[sflag:s2] =	ssyncset.done $0x0  }
0xae: {  	s20 =	stileid.u32;
	[sflag:s2] =	ssyncadd.s32 $0xFFFFC180  }
0xaf: {  	s16 =	sshll.u32 s20, $0x6;
	[bflag:$0x0] =	sbarrier.arrive $0xFFFF  }
0xb0: {  	s17 =	sshrl.u32 s7, $0x3;
	s16 =	sor.u32 $0x1C01, s16;
	s18 =	rddreg [dreg:$0x6]  }
0xb1: {  	[hbm:s18], [sflag:s16] =	dma.local [spmem:s17], $0x500  }
0xb2: {  	s21 =	sshrl.u32 s8, $0x3;
	s18 =	rddreg [dreg:$0x7]  }
0xb3: {  	[hbm:s18], [sflag:s16] =	dma.local [spmem:s21], $0x500  }
0xb4: {  	s19 =	sshrl.u32 s9, $0x3;
	s18 =	rddreg [dreg:$0x8]  }
0xb5: {  	[hbm:s18], [sflag:s16] =	dma.local [spmem:s19], $0x500  }
0xb6: {  	s20 =	sshrl.u32 s10, $0x3;
	s18 =	rddreg [dreg:$0x9]  }
0xb7: {  	[hbm:s18], [sflag:s16] =	dma.local [spmem:s20], $0x500  }
0xb8: {  	s21 =	sshrl.u32 s11, $0x3;
	s18 =	rddreg [dreg:$0xa]  }
0xb9: {  	[hbm:s18], [sflag:s16] =	dma.local [spmem:s21], $0x500  }
0xba: {  	s19 =	sshrl.u32 s12, $0x3;
	s18 =	rddreg [dreg:$0xb]  }
0xbb: {  	[hbm:s18], [sflag:s16] =	dma.local [spmem:s19], $0x500  }
0xbc: {  	s20 =	sshrl.u32 s13, $0x3;
	s21 =	sshrl.u32 s14, $0x3;
	s18 =	rddreg [dreg:$0xc]  }
0xbd: {  	[hbm:s18], [sflag:s16] =	dma.local [spmem:s20], $0x500  }
0xbe: {  	[hbm:s22], [sflag:s16] =	dma.local [spmem:s21], $0x500  }
0xbf: {  	_ =	swait.ge [sflag:s5], $0x500  }
0xc0: {  	[sflag:s5] =	ssyncset.done $0x0  }
0xc1: {  	[sflag:s5] =	ssyncadd.s32 $0xFFFFFB00  }
0xc2: {  	_ =	swait.ge [sflag:s5], $0x500  }
0xc3: {  	[sflag:s5] =	ssyncset.done $0x0  }
0xc4: {  	[sflag:s5] =	ssyncadd.s32 $0xFFFFFB00  }
0xc5: {  	_ =	swait.ge [sflag:s5], $0x500  }
0xc6: {  	[sflag:s5] =	ssyncset.done $0x0  }
0xc7: {  	[sflag:s5] =	ssyncadd.s32 $0xFFFFFB00  }
0xc8: {  	_ =	swait.ge [sflag:s5], $0x500  }
0xc9: {  	[sflag:s5] =	ssyncset.done $0x0  }
0xca: {  	[sflag:s5] =	ssyncadd.s32 $0xFFFFFB00  }
0xcb: {  	_ =	swait.ge [sflag:s5], $0x500  }
0xcc: {  	[sflag:s5] =	ssyncset.done $0x0  }
0xcd: {  	[sflag:s5] =	ssyncadd.s32 $0xFFFFFB00  }
0xce: {  	_ =	swait.ge [sflag:s5], $0x500  }
0xcf: {  	[sflag:s5] =	ssyncset.done $0x0  }
0xd0: {  	s15 =	sadd.s32 $0x1, s15;
	[sflag:s5] =	ssyncadd.s32 $0xFFFFFB00  }
0xd1: {  	p0 =	sne.s32 s15, s25;
	_ =	swait.ge [sflag:s5], $0x500  }
.Ltmp3:
0xd2: {  	[sflag:s5] =	ssyncset.done $0x0;
	(pc) =	sbr.rel @p0 .LBB2_1-.Ltmp3, $4  }
0xd3: {  	[sflag:s5] =	ssyncadd.s32 $0xFFFFFB00  }
0xd4: {  	_ =	swait.ge [sflag:s5], $0x500  }
0xd5: {  	[sflag:s5] =	ssyncset.done $0x0  }
0xd6: {  	[sflag:s5] =	ssyncadd.s32 $0xFFFFFB00  }
0xd7: {  	_ =	sfence.sel $0x180000  }
0xd8: {  	[bflag:$0x0] =	sbarrier.arrive $0xFFFF  }
0xd9: {  	_ =	strace $0x90000047  }
0xda: {  	s0 =	stileid.u32;
	[bflag:$0x2] =	sbarrier.arrive $0xFFFF  }
0xdb: {  	p0 =	sne.s32 s0, $0x0;
	s0 =	rddreg [dreg:$0x3]  }
0xdc: {  	s0 =	sadd.s32 @!p0 $0x100000, s0  }
0xdd: {  	[sflag:s0] =	ssyncadd.tile.s32 @!p0 $0x1;
	_ =	shalt  }
.Lfunc_end2:
_tile_overlayer_lowered:
.L_overlay_start_2:
0xde: {  	(tag) =	ssettag $0x2  }
0xdf: {  	s0 =	rddreg [dreg:$0x0];
	s2 =	stileid.u32  }
0xe0: {  	s1 =	rddreg [dreg:$0x1];
	p0 =	sne.s32 s2, $0x0  }
0xe1: {  	s3 =	rddreg [dreg:$0x2];
	[bflag:$0x3] =	sbarrier.arrive $0xFFFF;
	s2 =	simm.s32 @!p0 $0x1C03  }
0xe2: {  	[timem:s3], [sflag:s2] =	dma.local @!p0 [hbm:s0], s1  }
0xe3: {  	s0 =	simm.s32 @!p0 $0x3  }
0xe4: {  	_ =	swait.ge @!p0 [sflag:s0], s1  }
0xe5: {  	s1 =	ssub.s32 @!p0 $0x0, s1;
	[sflag:s0] =	ssyncset.done @!p0 $0x0  }
0xe6: {  	[sflag:s0] =	ssyncadd.s32 @!p0 s1  }
0xe7: {  	[bflag:$0x3] =	sbarrier.arrive $0xFFFF  }
0xe8: {  	_ =	shalt  }

</sc_bundles>
